<compile_context>
chip_gen: v7x
topology: tpu7x:2x2x1
jax: 0.10.2.dev20260603
libtpu: 0.0.44.dev20260713+nightly
codegen_flags: <defaults>
</compile_context>

<pallas_src>
import functools

import jax
import jax.numpy as jnp
from jax import lax
from jax.experimental import pallas as pl
from jax.experimental.pallas import tpu as pltpu
from jax.experimental.pallas import tpu_sc as plsc

N_NODES = 10000
N_EDGES = 640000
IN_SIZE = 128
HID = 16
H1 = 8
OUT = 16
NEG = 0.2

NC = 2
NS = 16
NW = NC * NS
EPW = N_EDGES // NW
CHUNK = 80
NCHUNK = EPW // CHUNK
ACC_ROWS = 10240
ROWS_PT = ACC_ROWS // NS
ZROWS = 32

SRC_W = 144
DST_W = 16
ACC_W = 144

SRC2_W = 32
DST2_W = 16
ACC2_W = 32

_DNUMS = lax.GatherDimensionNumbers(
    offset_dims=(), collapsed_slice_dims=(0,), start_index_map=(0,))


def _vgather(v, idx):
    return lax.gather(v, idx[:, None], _DNUMS, slice_sizes=(1,),
                      mode=lax.GatherScatterMode.PROMISE_IN_BOUNDS)


def _bcast_lane(v, lane):
    idx = (lax.iota(jnp.int32, 16) & 0) + lane
    return _vgather(v, idx)


def _hi8(v):
    idx = (lax.iota(jnp.int32, 16) & 7) + 8
    return _vgather(v, idx)


def _stage_a_body(x_ref, w1_ref, alm_ref, arm_ref, tsrc_ref, tdst_ref):
    feat = jnp.dot(x_ref[...], w1_ref[...], preferred_element_type=jnp.float32)
    el = jnp.dot(feat, alm_ref[...], preferred_element_type=jnp.float32)
    er = jnp.dot(feat, arm_ref[...], preferred_element_type=jnp.float32)
    gmax = jnp.max(el, axis=0, keepdims=True)
    z = gmax + er
    c = jnp.maximum(z, NEG * z)
    tsrc_ref[...] = jnp.concatenate([feat, el, jnp.zeros_like(el)], axis=1)
    tdst_ref[...] = jnp.concatenate([er, c], axis=1)


_stage_a = pl.pallas_call(
    _stage_a_body,
    out_shape=[
        jax.ShapeDtypeStruct((N_NODES, SRC_W), jnp.float32),
        jax.ShapeDtypeStruct((N_NODES, DST_W), jnp.float32),
    ],
)


def _edge_pass1_body(tsrc, tdst, src, dst, out,
                     sidx, didx, g1, g2, msg, zbuf, accum, sem1, sem2):
    cid = lax.axis_index("c")
    sid = lax.axis_index("s")
    wid = cid * NS + sid

    def zrow(i, _):
        def zcol(j, _):
            zbuf[i, pl.ds(j * 16, 16)] = jnp.zeros((16,), jnp.float32)
            return 0
        lax.fori_loop(0, ACC_W // 16, zcol, 0)
        return 0
    lax.fori_loop(0, ZROWS, zrow, 0)
    for t in range(ROWS_PT // ZROWS):
        pltpu.sync_copy(zbuf, accum.at[pl.ds(sid * ROWS_PT + t * ZROWS, ZROWS)])
    plsc.subcore_barrier()

    base0 = wid * EPW
    lanelt8 = lax.iota(jnp.int32, 16) < 8

    def chunk_body(j, _):
        base = base0 + j * CHUNK
        pltpu.sync_copy(src.at[pl.ds(base, CHUNK)], sidx)
        pltpu.sync_copy(dst.at[pl.ds(base, CHUNK)], didx)
        cp1 = pltpu.async_copy(tsrc.at[sidx], g1, sem1)
        cp2 = pltpu.async_copy(tdst.at[didx], g2, sem2)
        cp1.wait()
        cp2.wait()

        def edge_body(i, _):
            el = g1[i, pl.ds(IN_SIZE, 16)]
            erc = g2[i, pl.ds(0, 16)]
            s = el + erc
            e = jnp.maximum(s, NEG * s)
            ee = jnp.exp(e - _hi8(erc))
            msg[i, pl.ds(IN_SIZE, 16)] = jnp.where(lanelt8, ee, 0.0)
            for h in range(H1):
                b = _bcast_lane(ee, h)
                msg[i, pl.ds(h * 16, 16)] = g1[i, pl.ds(h * 16, 16)] * b
            return 0
        lax.fori_loop(0, CHUNK, edge_body, 0)
        pltpu.sync_copy(msg, accum.at[didx], add=True)
        return 0
    lax.fori_loop(0, NCHUNK, chunk_body, 0)

    plsc.subcore_barrier()
    pltpu.sync_copy(accum.at[pl.ds(sid * ROWS_PT, ROWS_PT)],
                    out.at[cid, pl.ds(sid * ROWS_PT, ROWS_PT)])


_edge_pass1 = functools.partial(
    pl.kernel,
    out_type=jax.ShapeDtypeStruct((NC, ACC_ROWS, ACC_W), jnp.float32),
    mesh=plsc.VectorSubcoreMesh(core_axis_name="c", subcore_axis_name="s"),
    scratch_types=[
        pltpu.VMEM((CHUNK,), jnp.int32),
        pltpu.VMEM((CHUNK,), jnp.int32),
        pltpu.VMEM((CHUNK, SRC_W), jnp.float32),
        pltpu.VMEM((CHUNK, DST_W), jnp.float32),
        pltpu.VMEM((CHUNK, ACC_W), jnp.float32),
        pltpu.VMEM((ZROWS, ACC_W), jnp.float32),
        pltpu.VMEM_SHARED((ACC_ROWS, ACC_W), jnp.float32),
        pltpu.SemaphoreType.DMA,
        pltpu.SemaphoreType.DMA,
    ],
    compiler_params=pltpu.CompilerParams(use_tc_tiling_on_sc=False),
)(_edge_pass1_body)


def _stage_c_body(p_ref, b1_ref, w2_ref, al2_ref, ar2_ref, e8_ref,
                  p0_ref, p1_ref, tsrc2_ref, tdst2_ref):
    acc = p_ref[0, :N_NODES, :] + p_ref[1, :N_NODES, :]
    msgs = acc[:, :IN_SIZE]
    den = acc[:, IN_SIZE:IN_SIZE + H1]
    deninv = 1.0 / jnp.maximum(den, 1e-16)
    den_exp = jnp.dot(deninv, e8_ref[...], preferred_element_type=jnp.float32)
    rst = msgs * den_exp + b1_ref[...]
    h1 = jnp.where(rst > 0, rst, jnp.exp(rst) - 1.0)
    feat2 = jnp.dot(h1, w2_ref[...], preferred_element_type=jnp.float32)
    el2m = jnp.dot(feat2, al2_ref[...], preferred_element_type=jnp.float32)
    er2m = jnp.dot(feat2, ar2_ref[...], preferred_element_type=jnp.float32)
    gmax = jnp.max(el2m, axis=0, keepdims=True)
    z = gmax + er2m
    c2m = jnp.maximum(z, NEG * z)
    tsrc2_ref[...] = jnp.concatenate([feat2, el2m], axis=1)
    tdst2_ref[...] = (jnp.dot(er2m, p0_ref[...], preferred_element_type=jnp.float32)
                      + jnp.dot(c2m, p1_ref[...], preferred_element_type=jnp.float32))


_stage_c = pl.pallas_call(
    _stage_c_body,
    out_shape=[
        jax.ShapeDtypeStruct((N_NODES, SRC2_W), jnp.float32),
        jax.ShapeDtypeStruct((N_NODES, DST2_W), jnp.float32),
    ],
)


def _edge_pass2_body(tsrc, tdst, src, dst, out,
                     sidx, didx, g1, g2, msg, zbuf, accum, sem1, sem2):
    cid = lax.axis_index("c")
    sid = lax.axis_index("s")
    wid = cid * NS + sid

    def zrow(i, _):
        def zcol(j, _):
            zbuf[i, pl.ds(j * 16, 16)] = jnp.zeros((16,), jnp.float32)
            return 0
        lax.fori_loop(0, ACC2_W // 16, zcol, 0)
        return 0
    lax.fori_loop(0, ZROWS, zrow, 0)
    for t in range(ROWS_PT // ZROWS):
        pltpu.sync_copy(zbuf, accum.at[pl.ds(sid * ROWS_PT + t * ZROWS, ZROWS)])
    plsc.subcore_barrier()

    base0 = wid * EPW
    lane0 = lax.iota(jnp.int32, 16) < 1

    def chunk_body(j, _):
        base = base0 + j * CHUNK
        pltpu.sync_copy(src.at[pl.ds(base, CHUNK)], sidx)
        pltpu.sync_copy(dst.at[pl.ds(base, CHUNK)], didx)
        cp1 = pltpu.async_copy(tsrc.at[sidx], g1, sem1)
        cp2 = pltpu.async_copy(tdst.at[didx], g2, sem2)
        cp1.wait()
        cp2.wait()

        def edge_body(i, _):
            vfe = g1[i, pl.ds(0, 16)]
            vel = g1[i, pl.ds(16, 16)]
            verc = g2[i, pl.ds(0, 16)]
            s = vel + verc
            e = jnp.maximum(s, NEG * s)
            ee = jnp.exp(e - _bcast_lane(verc, 1))
            eb = _bcast_lane(ee, 0)
            msg[i, pl.ds(0, 16)] = vfe * eb
            msg[i, pl.ds(16, 16)] = jnp.where(lane0, eb, 0.0)
            return 0
        lax.fori_loop(0, CHUNK, edge_body, 0)
        pltpu.sync_copy(msg, accum.at[didx], add=True)
        return 0
    lax.fori_loop(0, NCHUNK, chunk_body, 0)

    plsc.subcore_barrier()
    pltpu.sync_copy(accum.at[pl.ds(sid * ROWS_PT, ROWS_PT)],
                    out.at[cid, pl.ds(sid * ROWS_PT, ROWS_PT)])


_edge_pass2 = functools.partial(
    pl.kernel,
    out_type=jax.ShapeDtypeStruct((NC, ACC_ROWS, ACC2_W), jnp.float32),
    mesh=plsc.VectorSubcoreMesh(core_axis_name="c", subcore_axis_name="s"),
    scratch_types=[
        pltpu.VMEM((CHUNK,), jnp.int32),
        pltpu.VMEM((CHUNK,), jnp.int32),
        pltpu.VMEM((CHUNK, SRC2_W), jnp.float32),
        pltpu.VMEM((CHUNK, DST2_W), jnp.float32),
        pltpu.VMEM((CHUNK, ACC2_W), jnp.float32),
        pltpu.VMEM((ZROWS, ACC2_W), jnp.float32),
        pltpu.VMEM_SHARED((ACC_ROWS, ACC2_W), jnp.float32),
        pltpu.SemaphoreType.DMA,
        pltpu.SemaphoreType.DMA,
    ],
    compiler_params=pltpu.CompilerParams(use_tc_tiling_on_sc=False),
)(_edge_pass2_body)


def _stage_e_body(p_ref, b2_ref, bsel_ref, out_ref):
    acc = p_ref[0, :N_NODES, :] + p_ref[1, :N_NODES, :]
    msg2 = acc[:, :OUT]
    den = jnp.dot(acc[:, OUT:], bsel_ref[...], preferred_element_type=jnp.float32)
    out_ref[...] = msg2 / jnp.maximum(den, 1e-16) + b2_ref[...]


_stage_e = pl.pallas_call(
    _stage_e_body,
    out_shape=jax.ShapeDtypeStruct((N_NODES, OUT), jnp.float32),
)


def kernel(x, edge_index, W1, al1, ar1, b1, W2, al2, ar2, b2):
    src = edge_index[0].astype(jnp.int32)
    dst = edge_index[1].astype(jnp.int32)

    eye8 = jnp.eye(H1, dtype=jnp.float32)
    alm1 = (al1[:, :, None] * eye8[:, None, :]).reshape(H1 * HID, H1)
    arm1 = (ar1[:, :, None] * eye8[:, None, :]).reshape(H1 * HID, H1)
    tsrc1, tdst1 = _stage_a(x, W1, alm1, arm1)

    part1 = _edge_pass1(tsrc1, tdst1, src, dst)

    e8 = jnp.kron(eye8, jnp.ones((1, HID), jnp.float32))
    al2m = jnp.zeros((OUT, OUT), jnp.float32).at[:, 0].set(al2[0])
    ar2m = jnp.zeros((OUT, OUT), jnp.float32).at[:, 0].set(ar2[0])
    p0 = jnp.zeros((OUT, DST2_W), jnp.float32).at[0, 0].set(1.0)
    p1 = jnp.zeros((OUT, DST2_W), jnp.float32).at[0, 1].set(1.0)
    tsrc2, tdst2 = _stage_c(part1, b1.reshape(1, H1 * HID), W2, al2m, ar2m,
                            e8, p0, p1)

    part2 = _edge_pass2(tsrc2, tdst2, src, dst)

    bsel = jnp.zeros((OUT, OUT), jnp.float32).at[0, :].set(1.0)
    return _stage_e(part2, b2.reshape(1, OUT), bsel)

# --- scband reference (transcript-rebuilt; emitter-appended) ---
"""Pipeline reference for scband-gat-full-22316650070209 (READ-ONLY COPY).

The authoritative reference and input builder live on the scoring server;
editing this copy changes nothing except your own understanding.
"""

import jax, jax.numpy as jnp
import numpy as np

N_NODES = 10000
N_EDGES = 640000
IN_SIZE = 128
HID_SIZE = 16
OUT_SIZE = 16
HEADS = (8, 1)
NEG_SLOPE = 0.2


def setup_inputs(seed: int = 0) -> dict:
    key = jax.random.key(seed)
    ks = jax.random.split(key, 12)
    x = jax.random.normal(ks[0], (N_NODES, IN_SIZE), dtype=jnp.float32)
    edge_index = jax.random.randint(ks[1], (2, N_EDGES), 0, N_NODES, dtype=jnp.int64)
    # layer 1 params (DGL GATConv: fc weight, attn_l, attn_r, bias)
    s1 = 1.0 / np.sqrt(IN_SIZE)
    W1 = jax.random.normal(ks[2], (IN_SIZE, HEADS[0] * HID_SIZE), dtype=jnp.float32) * s1
    al1 = jax.random.normal(ks[3], (HEADS[0], HID_SIZE), dtype=jnp.float32) * 0.1
    ar1 = jax.random.normal(ks[4], (HEADS[0], HID_SIZE), dtype=jnp.float32) * 0.1
    b1 = jnp.zeros((HEADS[0] * HID_SIZE,), dtype=jnp.float32)
    # layer 2 params
    in2 = HEADS[0] * HID_SIZE
    s2 = 1.0 / np.sqrt(in2)
    W2 = jax.random.normal(ks[5], (in2, HEADS[1] * OUT_SIZE), dtype=jnp.float32) * s2
    al2 = jax.random.normal(ks[6], (HEADS[1], OUT_SIZE), dtype=jnp.float32) * 0.1
    ar2 = jax.random.normal(ks[7], (HEADS[1], OUT_SIZE), dtype=jnp.float32) * 0.1
    b2 = jnp.zeros((HEADS[1] * OUT_SIZE,), dtype=jnp.float32)
    return {"x": x, "edge_index": edge_index, "W1": W1, "al1": al1, "ar1": ar1,
            "b1": b1, "W2": W2, "al2": al2, "ar2": ar2, "b2": b2}


def _gat_conv(h, src, dst, W, al, ar, b, heads, out_dim):
    # feat_drop / attn_drop are identity in eval mode
    feat = (h @ W).reshape(-1, heads, out_dim)            # [N, H, D]
    el = jnp.sum(feat * al[None, :, :], axis=-1)          # [N, H]
    er = jnp.sum(feat * ar[None, :, :], axis=-1)          # [N, H]
    e = el[src] + er[dst]                                 # [E, H] (gather)
    e = jax.nn.leaky_relu(e, NEG_SLOPE)
    # edge softmax over incoming edges of each dst node
    emax = jax.ops.segment_max(e, dst, num_segments=N_NODES)
    emax = jnp.where(jnp.isfinite(emax), emax, 0.0)
    ee = jnp.exp(e - emax[dst])
    denom = jax.ops.segment_sum(ee, dst, num_segments=N_NODES)
    alpha = ee / jnp.maximum(denom[dst], 1e-16)           # [E, H]
    msg = feat[src] * alpha[:, :, None]                   # [E, H, D] (gather)
    rst = jax.ops.segment_sum(msg, dst, num_segments=N_NODES)  # scatter-add
    rst = rst + b.reshape(heads, out_dim)[None, :, :]
    return rst


def reference(x, edge_index, W1, al1, ar1, b1, W2, al2, ar2, b2):
    src = edge_index[0]
    dst = edge_index[1]
    # layer 0: GATConv + ELU activation, then flatten heads
    h = _gat_conv(x, src, dst, W1, al1, ar1, b1, HEADS[0], HID_SIZE)
    h = jax.nn.elu(h)
    h = h.reshape(N_NODES, HEADS[0] * HID_SIZE)
    # layer 1: GATConv (no activation), then mean over heads
    h = _gat_conv(h, src, dst, W2, al2, ar2, b2, HEADS[1], OUT_SIZE)
    h = h.mean(axis=1)
    return h

if __name__ == "__main__":
    import jax
    _d = setup_inputs()
    print(jax.jit(kernel)(*tuple(_d.values())))

</pallas_src>

<mosaic_0001>
#map = affine_map<(d0, d1) -> (0, 0)>
#map1 = affine_map<(d0, d1) -> (0)>
#map2 = affine_map<(d0, d1) -> (0, 0, 0)>
module attributes {stable_mosaic.version = 14 : i64} {
  func.func @_edge_pass1_body(%arg0: i32, %arg1: i32, %arg2: memref<10000x144xf32, #tpu.memory_space<hbm>>, %arg3: memref<10000x16xf32, #tpu.memory_space<hbm>>, %arg4: memref<640000xi32, #tpu.memory_space<hbm>>, %arg5: memref<640000xi32, #tpu.memory_space<hbm>>, %arg6: memref<2x10240x144xf32, #tpu.memory_space<hbm>>, %arg7: memref<80xi32, #tpu.memory_space<vmem>>, %arg8: memref<80xi32, #tpu.memory_space<vmem>>, %arg9: memref<80x144xf32, #tpu.memory_space<vmem>>, %arg10: memref<80x16xf32, #tpu.memory_space<vmem>>, %arg11: memref<80x144xf32, #tpu.memory_space<vmem>>, %arg12: memref<32x144xf32, #tpu.memory_space<vmem>>, %arg13: memref<10240x144xf32, #tpu.memory_space<vmem_shared>>, %arg14: memref<!tpu.dma_semaphore, #tpu.memory_space<semaphore_mem>>, %arg15: memref<!tpu.dma_semaphore, #tpu.memory_space<semaphore_mem>>) attributes {dimension_semantics = [#tpu.dimension_semantics<core_parallel>, #tpu.dimension_semantics<subcore_parallel>], iteration_bounds = array<i64: 2, 16>, scalar_prefetch = 0 : i64, scratch_operands = 9 : i64, tpu.core_type = #tpu.core_type<sc_vector_subcore>, window_params = [{transform_indices = #map}, {transform_indices = #map}, {transform_indices = #map1}, {transform_indices = #map1}, {transform_indices = #map2}]} {
    %mul3A = arith.constant 16 : i32
    %mul3A_0 = arith.muli %arg0, %mul3A : i32
    %add3A = arith.addi %mul3A_0, %arg1 : i32
    %scan3A = arith.constant 0 : i32
    %scan3A_1 = arith.constant 0 : i32
    %scan3A_2 = arith.constant 32 : i32
    %scan3A_3 = arith.addi %scan3A_1, %scan3A_2 : i32
    %scan3A_4 = arith.constant 1 : i32
    %scan3A_5 = scf.for %scan3A_103 = %scan3A_1 to %scan3A_3 step %scan3A_4 iter_args(%scan3A_104 = %scan3A) -> (i32)  : i32 {
      %scan3A_105 = arith.constant 0 : i32
      %scan3A_106 = arith.constant 0 : i32
      %scan3A_107 = arith.constant 9 : i32
      %scan3A_108 = arith.addi %scan3A_106, %scan3A_107 : i32
      %scan3A_109 = arith.constant 1 : i32
      %scan3A_110 = scf.for %scan3A_113 = %scan3A_106 to %scan3A_108 step %scan3A_109 iter_args(%scan3A_114 = %scan3A_105) -> (i32)  : i32 {
        %broadcast_in_dim3A = arith.constant 0.000000e+00 : f32
        %broadcast_in_dim3A_115 = vector.broadcast %broadcast_in_dim3A : f32 to vector<16xf32>
        %mul3A_116 = arith.constant 16 : i32
        %mul3A_117 = arith.muli %scan3A_113, %mul3A_116 : i32
        %swap3A = arith.index_cast %scan3A_103 : i32 to index
        %swap3A_118 = arith.index_cast %mul3A_117 : i32 to index
        %swap3A_119 = tpu.vector_load %arg12[%swap3A, %swap3A_118] {strides = array<i32>} : memref<32x144xf32, #tpu.memory_space<vmem>>, vector<1x16xf32>,
        %swap3A_120 = vector.shape_cast %swap3A_119 : vector<1x16xf32> to vector<16xf32>
        %swap3A_121 = vector.shape_cast %broadcast_in_dim3A_115 : vector<16xf32> to vector<1x16xf32>
        tpu.vector_store %arg12[%swap3A, %swap3A_118], %swap3A_121 {strides = array<i32>} : memref<32x144xf32, #tpu.memory_space<vmem>>, vector<1x16xf32>,
        %scan3A_122 = arith.constant 0 : i32
        scf.yield %scan3A_122 : i32
      }
      %scan3A_111 = arith.constant 9 : i32
      %scan3A_112 = arith.constant 0 : i32
      scf.yield %scan3A_112 : i32
    }
    %scan3A_6 = arith.constant 32 : i32
    %mul3A_7 = arith.constant 640 : i32
    %mul3A_8 = arith.muli %arg1, %mul3A_7 : i32
    %add3A_9 = arith.constant 0 : i32
    %add3A_10 = arith.addi %mul3A_8, %add3A_9 : i32
    "tpu.region"() ({
      %run_scoped3A = tpu.sem_alloc : memref<!tpu.dma_semaphore, #tpu.memory_space<semaphore_mem>>
      %dma_start3A = arith.constant 0 : i32
      %dma_start3A_103 = tpu.memref_slice %arg13[%add3A_10, %dma_start3A] : memref<10240x144xf32, #tpu.memory_space<vmem_shared>> -> memref<32x144xf32, #tpu.memory_space<vmem_shared>>
      %dma_start3A_104 = arith.constant 0 : i32
      %dma_start3A_105 = tpu.memref_slice %arg13[%add3A_10, %dma_start3A_104] : memref<10240x144xf32, #tpu.memory_space<vmem_shared>> -> memref<32x144xf32, #tpu.memory_space<vmem_shared>>
      tpu.enqueue_dma source(%arg12 : memref<32x144xf32, #tpu.memory_space<vmem>>) target(%dma_start3A_105 : memref<32x144xf32, #tpu.memory_space<vmem_shared>>) target_semaphore(%run_scoped3A : memref<!tpu.dma_semaphore, #tpu.memory_space<semaphore_mem>>)
      %dma_wait3A = arith.constant 0 : i32
      %dma_wait3A_106 = tpu.memref_slice %arg13[%add3A_10, %dma_wait3A] : memref<10240x144xf32, #tpu.memory_space<vmem_shared>> -> memref<32x144xf32, #tpu.memory_space<vmem_shared>>
      %dma_wait3A_107 = arith.constant 0 : i32
      %dma_wait3A_108 = tpu.memref_slice %arg13[%add3A_10, %dma_wait3A_107] : memref<10240x144xf32, #tpu.memory_space<vmem_shared>> -> memref<32x144xf32, #tpu.memory_space<vmem_shared>>
      tpu.wait_dma2 semaphore(%run_scoped3A : memref<!tpu.dma_semaphore, #tpu.memory_space<semaphore_mem>>) src(%arg12 : memref<32x144xf32, #tpu.memory_space<vmem>>) dst(%dma_wait3A_108 : memref<32x144xf32, #tpu.memory_space<vmem_shared>>)
      tpu.yield
    }) : () -> ()
    %mul3A_11 = arith.constant 640 : i32
    %mul3A_12 = arith.muli %arg1, %mul3A_11 : i32
    %add3A_13 = arith.constant 32 : i32
    %add3A_14 = arith.addi %mul3A_12, %add3A_13 : i32
    "tpu.region"() ({
      %run_scoped3A = tpu.sem_alloc : memref<!tpu.dma_semaphore, #tpu.memory_space<semaphore_mem>>
      %dma_start3A = arith.constant 0 : i32
      %dma_start3A_103 = tpu.memref_slice %arg13[%add3A_14, %dma_start3A] : memref<10240x144xf32, #tpu.memory_space<vmem_shared>> -> memref<32x144xf32, #tpu.memory_space<vmem_shared>>
      %dma_start3A_104 = arith.constant 0 : i32
      %dma_start3A_105 = tpu.memref_slice %arg13[%add3A_14, %dma_start3A_104] : memref<10240x144xf32, #tpu.memory_space<vmem_shared>> -> memref<32x144xf32, #tpu.memory_space<vmem_shared>>
      tpu.enqueue_dma source(%arg12 : memref<32x144xf32, #tpu.memory_space<vmem>>) target(%dma_start3A_105 : memref<32x144xf32, #tpu.memory_space<vmem_shared>>) target_semaphore(%run_scoped3A : memref<!tpu.dma_semaphore, #tpu.memory_space<semaphore_mem>>)
      %dma_wait3A = arith.constant 0 : i32
      %dma_wait3A_106 = tpu.memref_slice %arg13[%add3A_14, %dma_wait3A] : memref<10240x144xf32, #tpu.memory_space<vmem_shared>> -> memref<32x144xf32, #tpu.memory_space<vmem_shared>>
      %dma_wait3A_107 = arith.constant 0 : i32
      %dma_wait3A_108 = tpu.memref_slice %arg13[%add3A_14, %dma_wait3A_107] : memref<10240x144xf32, #tpu.memory_space<vmem_shared>> -> memref<32x144xf32, #tpu.memory_space<vmem_shared>>
      tpu.wait_dma2 semaphore(%run_scoped3A : memref<!tpu.dma_semaphore, #tpu.memory_space<semaphore_mem>>) src(%arg12 : memref<32x144xf32, #tpu.memory_space<vmem>>) dst(%dma_wait3A_108 : memref<32x144xf32, #tpu.memory_space<vmem_shared>>)
      tpu.yield
    }) : () -> ()
    %mul3A_15 = arith.constant 640 : i32
    %mul3A_16 = arith.muli %arg1, %mul3A_15 : i32
    %add3A_17 = arith.constant 64 : i32
    %add3A_18 = arith.addi %mul3A_16, %add3A_17 : i32
    "tpu.region"() ({
      %run_scoped3A = tpu.sem_alloc : memref<!tpu.dma_semaphore, #tpu.memory_space<semaphore_mem>>
      %dma_start3A = arith.constant 0 : i32
      %dma_start3A_103 = tpu.memref_slice %arg13[%add3A_18, %dma_start3A] : memref<10240x144xf32, #tpu.memory_space<vmem_shared>> -> memref<32x144xf32, #tpu.memory_space<vmem_shared>>
      %dma_start3A_104 = arith.constant 0 : i32
      %dma_start3A_105 = tpu.memref_slice %arg13[%add3A_18, %dma_start3A_104] : memref<10240x144xf32, #tpu.memory_space<vmem_shared>> -> memref<32x144xf32, #tpu.memory_space<vmem_shared>>
      tpu.enqueue_dma source(%arg12 : memref<32x144xf32, #tpu.memory_space<vmem>>) target(%dma_start3A_105 : memref<32x144xf32, #tpu.memory_space<vmem_shared>>) target_semaphore(%run_scoped3A : memref<!tpu.dma_semaphore, #tpu.memory_space<semaphore_mem>>)
      %dma_wait3A = arith.constant 0 : i32
      %dma_wait3A_106 = tpu.memref_slice %arg13[%add3A_18, %dma_wait3A] : memref<10240x144xf32, #tpu.memory_space<vmem_shared>> -> memref<32x144xf32, #tpu.memory_space<vmem_shared>>
      %dma_wait3A_107 = arith.constant 0 : i32
      %dma_wait3A_108 = tpu.memref_slice %arg13[%add3A_18, %dma_wait3A_107] : memref<10240x144xf32, #tpu.memory_space<vmem_shared>> -> memref<32x144xf32, #tpu.memory_space<vmem_shared>>
      tpu.wait_dma2 semaphore(%run_scoped3A : memref<!tpu.dma_semaphore, #tpu.memory_space<semaphore_mem>>) src(%arg12 : memref<32x144xf32, #tpu.memory_space<vmem>>) dst(%dma_wait3A_108 : memref<32x144xf32, #tpu.memory_space<vmem_shared>>)
      tpu.yield
    }) : () -> ()
    %mul3A_19 = arith.constant 640 : i32
    %mul3A_20 = arith.muli %arg1, %mul3A_19 : i32
    %add3A_21 = arith.constant 96 : i32
    %add3A_22 = arith.addi %mul3A_20, %add3A_21 : i32
    "tpu.region"() ({
      %run_scoped3A = tpu.sem_alloc : memref<!tpu.dma_semaphore, #tpu.memory_space<semaphore_mem>>
      %dma_start3A = arith.constant 0 : i32
      %dma_start3A_103 = tpu.memref_slice %arg13[%add3A_22, %dma_start3A] : memref<10240x144xf32, #tpu.memory_space<vmem_shared>> -> memref<32x144xf32, #tpu.memory_space<vmem_shared>>
      %dma_start3A_104 = arith.constant 0 : i32
      %dma_start3A_105 = tpu.memref_slice %arg13[%add3A_22, %dma_start3A_104] : memref<10240x144xf32, #tpu.memory_space<vmem_shared>> -> memref<32x144xf32, #tpu.memory_space<vmem_shared>>
      tpu.enqueue_dma source(%arg12 : memref<32x144xf32, #tpu.memory_space<vmem>>) target(%dma_start3A_105 : memref<32x144xf32, #tpu.memory_space<vmem_shared>>) target_semaphore(%run_scoped3A : memref<!tpu.dma_semaphore, #tpu.memory_space<semaphore_mem>>)
      %dma_wait3A = arith.constant 0 : i32
      %dma_wait3A_106 = tpu.memref_slice %arg13[%add3A_22, %dma_wait3A] : memref<10240x144xf32, #tpu.memory_space<vmem_shared>> -> memref<32x144xf32, #tpu.memory_space<vmem_shared>>
      %dma_wait3A_107 = arith.constant 0 : i32
      %dma_wait3A_108 = tpu.memref_slice %arg13[%add3A_22, %dma_wait3A_107] : memref<10240x144xf32, #tpu.memory_space<vmem_shared>> -> memref<32x144xf32, #tpu.memory_space<vmem_shared>>
      tpu.wait_dma2 semaphore(%run_scoped3A : memref<!tpu.dma_semaphore, #tpu.memory_space<semaphore_mem>>) src(%arg12 : memref<32x144xf32, #tpu.memory_space<vmem>>) dst(%dma_wait3A_108 : memref<32x144xf32, #tpu.memory_space<vmem_shared>>)
      tpu.yield
    }) : () -> ()
    %mul3A_23 = arith.constant 640 : i32
    %mul3A_24 = arith.muli %arg1, %mul3A_23 : i32
    %add3A_25 = arith.constant 128 : i32
    %add3A_26 = arith.addi %mul3A_24, %add3A_25 : i32
    "tpu.region"() ({
      %run_scoped3A = tpu.sem_alloc : memref<!tpu.dma_semaphore, #tpu.memory_space<semaphore_mem>>
      %dma_start3A = arith.constant 0 : i32
      %dma_start3A_103 = tpu.memref_slice %arg13[%add3A_26, %dma_start3A] : memref<10240x144xf32, #tpu.memory_space<vmem_shared>> -> memref<32x144xf32, #tpu.memory_space<vmem_shared>>
      %dma_start3A_104 = arith.constant 0 : i32
      %dma_start3A_105 = tpu.memref_slice %arg13[%add3A_26, %dma_start3A_104] : memref<10240x144xf32, #tpu.memory_space<vmem_shared>> -> memref<32x144xf32, #tpu.memory_space<vmem_shared>>
      tpu.enqueue_dma source(%arg12 : memref<32x144xf32, #tpu.memory_space<vmem>>) target(%dma_start3A_105 : memref<32x144xf32, #tpu.memory_space<vmem_shared>>) target_semaphore(%run_scoped3A : memref<!tpu.dma_semaphore, #tpu.memory_space<semaphore_mem>>)
      %dma_wait3A = arith.constant 0 : i32
      %dma_wait3A_106 = tpu.memref_slice %arg13[%add3A_26, %dma_wait3A] : memref<10240x144xf32, #tpu.memory_space<vmem_shared>> -> memref<32x144xf32, #tpu.memory_space<vmem_shared>>
      %dma_wait3A_107 = arith.constant 0 : i32
      %dma_wait3A_108 = tpu.memref_slice %arg13[%add3A_26, %dma_wait3A_107] : memref<10240x144xf32, #tpu.memory_space<vmem_shared>> -> memref<32x144xf32, #tpu.memory_space<vmem_shared>>
      tpu.wait_dma2 semaphore(%run_scoped3A : memref<!tpu.dma_semaphore, #tpu.memory_space<semaphore_mem>>) src(%arg12 : memref<32x144xf32, #tpu.memory_space<vmem>>) dst(%dma_wait3A_108 : memref<32x144xf32, #tpu.memory_space<vmem_shared>>)
      tpu.yield
    }) : () -> ()
    %mul3A_27 = arith.constant 640 : i32
    %mul3A_28 = arith.muli %arg1, %mul3A_27 : i32
    %add3A_29 = arith.constant 160 : i32
    %add3A_30 = arith.addi %mul3A_28, %add3A_29 : i32
    "tpu.region"() ({
      %run_scoped3A = tpu.sem_alloc : memref<!tpu.dma_semaphore, #tpu.memory_space<semaphore_mem>>
      %dma_start3A = arith.constant 0 : i32
      %dma_start3A_103 = tpu.memref_slice %arg13[%add3A_30, %dma_start3A] : memref<10240x144xf32, #tpu.memory_space<vmem_shared>> -> memref<32x144xf32, #tpu.memory_space<vmem_shared>>
      %dma_start3A_104 = arith.constant 0 : i32
      %dma_start3A_105 = tpu.memref_slice %arg13[%add3A_30, %dma_start3A_104] : memref<10240x144xf32, #tpu.memory_space<vmem_shared>> -> memref<32x144xf32, #tpu.memory_space<vmem_shared>>
      tpu.enqueue_dma source(%arg12 : memref<32x144xf32, #tpu.memory_space<vmem>>) target(%dma_start3A_105 : memref<32x144xf32, #tpu.memory_space<vmem_shared>>) target_semaphore(%run_scoped3A : memref<!tpu.dma_semaphore, #tpu.memory_space<semaphore_mem>>)
      %dma_wait3A = arith.constant 0 : i32
      %dma_wait3A_106 = tpu.memref_slice %arg13[%add3A_30, %dma_wait3A] : memref<10240x144xf32, #tpu.memory_space<vmem_shared>> -> memref<32x144xf32, #tpu.memory_space<vmem_shared>>
      %dma_wait3A_107 = arith.constant 0 : i32
      %dma_wait3A_108 = tpu.memref_slice %arg13[%add3A_30, %dma_wait3A_107] : memref<10240x144xf32, #tpu.memory_space<vmem_shared>> -> memref<32x144xf32, #tpu.memory_space<vmem_shared>>
      tpu.wait_dma2 semaphore(%run_scoped3A : memref<!tpu.dma_semaphore, #tpu.memory_space<semaphore_mem>>) src(%arg12 : memref<32x144xf32, #tpu.memory_space<vmem>>) dst(%dma_wait3A_108 : memref<32x144xf32, #tpu.memory_space<vmem_shared>>)
      tpu.yield
    }) : () -> ()
    %mul3A_31 = arith.constant 640 : i32
    %mul3A_32 = arith.muli %arg1, %mul3A_31 : i32
    %add3A_33 = arith.constant 192 : i32
    %add3A_34 = arith.addi %mul3A_32, %add3A_33 : i32
    "tpu.region"() ({
      %run_scoped3A = tpu.sem_alloc : memref<!tpu.dma_semaphore, #tpu.memory_space<semaphore_mem>>
      %dma_start3A = arith.constant 0 : i32
      %dma_start3A_103 = tpu.memref_slice %arg13[%add3A_34, %dma_start3A] : memref<10240x144xf32, #tpu.memory_space<vmem_shared>> -> memref<32x144xf32, #tpu.memory_space<vmem_shared>>
      %dma_start3A_104 = arith.constant 0 : i32
      %dma_start3A_105 = tpu.memref_slice %arg13[%add3A_34, %dma_start3A_104] : memref<10240x144xf32, #tpu.memory_space<vmem_shared>> -> memref<32x144xf32, #tpu.memory_space<vmem_shared>>
      tpu.enqueue_dma source(%arg12 : memref<32x144xf32, #tpu.memory_space<vmem>>) target(%dma_start3A_105 : memref<32x144xf32, #tpu.memory_space<vmem_shared>>) target_semaphore(%run_scoped3A : memref<!tpu.dma_semaphore, #tpu.memory_space<semaphore_mem>>)
      %dma_wait3A = arith.constant 0 : i32
      %dma_wait3A_106 = tpu.memref_slice %arg13[%add3A_34, %dma_wait3A] : memref<10240x144xf32, #tpu.memory_space<vmem_shared>> -> memref<32x144xf32, #tpu.memory_space<vmem_shared>>
      %dma_wait3A_107 = arith.constant 0 : i32
      %dma_wait3A_108 = tpu.memref_slice %arg13[%add3A_34, %dma_wait3A_107] : memref<10240x144xf32, #tpu.memory_space<vmem_shared>> -> memref<32x144xf32, #tpu.memory_space<vmem_shared>>
      tpu.wait_dma2 semaphore(%run_scoped3A : memref<!tpu.dma_semaphore, #tpu.memory_space<semaphore_mem>>) src(%arg12 : memref<32x144xf32, #tpu.memory_space<vmem>>) dst(%dma_wait3A_108 : memref<32x144xf32, #tpu.memory_space<vmem_shared>>)
      tpu.yield
    }) : () -> ()
    %mul3A_35 = arith.constant 640 : i32
    %mul3A_36 = arith.muli %arg1, %mul3A_35 : i32
    %add3A_37 = arith.constant 224 : i32
    %add3A_38 = arith.addi %mul3A_36, %add3A_37 : i32
    "tpu.region"() ({
      %run_scoped3A = tpu.sem_alloc : memref<!tpu.dma_semaphore, #tpu.memory_space<semaphore_mem>>
      %dma_start3A = arith.constant 0 : i32
      %dma_start3A_103 = tpu.memref_slice %arg13[%add3A_38, %dma_start3A] : memref<10240x144xf32, #tpu.memory_space<vmem_shared>> -> memref<32x144xf32, #tpu.memory_space<vmem_shared>>
      %dma_start3A_104 = arith.constant 0 : i32
      %dma_start3A_105 = tpu.memref_slice %arg13[%add3A_38, %dma_start3A_104] : memref<10240x144xf32, #tpu.memory_space<vmem_shared>> -> memref<32x144xf32, #tpu.memory_space<vmem_shared>>
      tpu.enqueue_dma source(%arg12 : memref<32x144xf32, #tpu.memory_space<vmem>>) target(%dma_start3A_105 : memref<32x144xf32, #tpu.memory_space<vmem_shared>>) target_semaphore(%run_scoped3A : memref<!tpu.dma_semaphore, #tpu.memory_space<semaphore_mem>>)
      %dma_wait3A = arith.constant 0 : i32
      %dma_wait3A_106 = tpu.memref_slice %arg13[%add3A_38, %dma_wait3A] : memref<10240x144xf32, #tpu.memory_space<vmem_shared>> -> memref<32x144xf32, #tpu.memory_space<vmem_shared>>
      %dma_wait3A_107 = arith.constant 0 : i32
      %dma_wait3A_108 = tpu.memref_slice %arg13[%add3A_38, %dma_wait3A_107] : memref<10240x144xf32, #tpu.memory_space<vmem_shared>> -> memref<32x144xf32, #tpu.memory_space<vmem_shared>>
      tpu.wait_dma2 semaphore(%run_scoped3A : memref<!tpu.dma_semaphore, #tpu.memory_space<semaphore_mem>>) src(%arg12 : memref<32x144xf32, #tpu.memory_space<vmem>>) dst(%dma_wait3A_108 : memref<32x144xf32, #tpu.memory_space<vmem_shared>>)
      tpu.yield
    }) : () -> ()
    %mul3A_39 = arith.constant 640 : i32
    %mul3A_40 = arith.muli %arg1, %mul3A_39 : i32
    %add3A_41 = arith.constant 256 : i32
    %add3A_42 = arith.addi %mul3A_40, %add3A_41 : i32
    "tpu.region"() ({
      %run_scoped3A = tpu.sem_alloc : memref<!tpu.dma_semaphore, #tpu.memory_space<semaphore_mem>>
      %dma_start3A = arith.constant 0 : i32
      %dma_start3A_103 = tpu.memref_slice %arg13[%add3A_42, %dma_start3A] : memref<10240x144xf32, #tpu.memory_space<vmem_shared>> -> memref<32x144xf32, #tpu.memory_space<vmem_shared>>
      %dma_start3A_104 = arith.constant 0 : i32
      %dma_start3A_105 = tpu.memref_slice %arg13[%add3A_42, %dma_start3A_104] : memref<10240x144xf32, #tpu.memory_space<vmem_shared>> -> memref<32x144xf32, #tpu.memory_space<vmem_shared>>
      tpu.enqueue_dma source(%arg12 : memref<32x144xf32, #tpu.memory_space<vmem>>) target(%dma_start3A_105 : memref<32x144xf32, #tpu.memory_space<vmem_shared>>) target_semaphore(%run_scoped3A : memref<!tpu.dma_semaphore, #tpu.memory_space<semaphore_mem>>)
      %dma_wait3A = arith.constant 0 : i32
      %dma_wait3A_106 = tpu.memref_slice %arg13[%add3A_42, %dma_wait3A] : memref<10240x144xf32, #tpu.memory_space<vmem_shared>> -> memref<32x144xf32, #tpu.memory_space<vmem_shared>>
      %dma_wait3A_107 = arith.constant 0 : i32
      %dma_wait3A_108 = tpu.memref_slice %arg13[%add3A_42, %dma_wait3A_107] : memref<10240x144xf32, #tpu.memory_space<vmem_shared>> -> memref<32x144xf32, #tpu.memory_space<vmem_shared>>
      tpu.wait_dma2 semaphore(%run_scoped3A : memref<!tpu.dma_semaphore, #tpu.memory_space<semaphore_mem>>) src(%arg12 : memref<32x144xf32, #tpu.memory_space<vmem>>) dst(%dma_wait3A_108 : memref<32x144xf32, #tpu.memory_space<vmem_shared>>)
      tpu.yield
    }) : () -> ()
    %mul3A_43 = arith.constant 640 : i32
    %mul3A_44 = arith.muli %arg1, %mul3A_43 : i32
    %add3A_45 = arith.constant 288 : i32
    %add3A_46 = arith.addi %mul3A_44, %add3A_45 : i32
    "tpu.region"() ({
      %run_scoped3A = tpu.sem_alloc : memref<!tpu.dma_semaphore, #tpu.memory_space<semaphore_mem>>
      %dma_start3A = arith.constant 0 : i32
      %dma_start3A_103 = tpu.memref_slice %arg13[%add3A_46, %dma_start3A] : memref<10240x144xf32, #tpu.memory_space<vmem_shared>> -> memref<32x144xf32, #tpu.memory_space<vmem_shared>>
      %dma_start3A_104 = arith.constant 0 : i32
      %dma_start3A_105 = tpu.memref_slice %arg13[%add3A_46, %dma_start3A_104] : memref<10240x144xf32, #tpu.memory_space<vmem_shared>> -> memref<32x144xf32, #tpu.memory_space<vmem_shared>>
      tpu.enqueue_dma source(%arg12 : memref<32x144xf32, #tpu.memory_space<vmem>>) target(%dma_start3A_105 : memref<32x144xf32, #tpu.memory_space<vmem_shared>>) target_semaphore(%run_scoped3A : memref<!tpu.dma_semaphore, #tpu.memory_space<semaphore_mem>>)
      %dma_wait3A = arith.constant 0 : i32
      %dma_wait3A_106 = tpu.memref_slice %arg13[%add3A_46, %dma_wait3A] : memref<10240x144xf32, #tpu.memory_space<vmem_shared>> -> memref<32x144xf32, #tpu.memory_space<vmem_shared>>
      %dma_wait3A_107 = arith.constant 0 : i32
      %dma_wait3A_108 = tpu.memref_slice %arg13[%add3A_46, %dma_wait3A_107] : memref<10240x144xf32, #tpu.memory_space<vmem_shared>> -> memref<32x144xf32, #tpu.memory_space<vmem_shared>>
      tpu.wait_dma2 semaphore(%run_scoped3A : memref<!tpu.dma_semaphore, #tpu.memory_space<semaphore_mem>>) src(%arg12 : memref<32x144xf32, #tpu.memory_space<vmem>>) dst(%dma_wait3A_108 : memref<32x144xf32, #tpu.memory_space<vmem_shared>>)
      tpu.yield
    }) : () -> ()
    %mul3A_47 = arith.constant 640 : i32
    %mul3A_48 = arith.muli %arg1, %mul3A_47 : i32
    %add3A_49 = arith.constant 320 : i32
    %add3A_50 = arith.addi %mul3A_48, %add3A_49 : i32
    "tpu.region"() ({
      %run_scoped3A = tpu.sem_alloc : memref<!tpu.dma_semaphore, #tpu.memory_space<semaphore_mem>>
      %dma_start3A = arith.constant 0 : i32
      %dma_start3A_103 = tpu.memref_slice %arg13[%add3A_50, %dma_start3A] : memref<10240x144xf32, #tpu.memory_space<vmem_shared>> -> memref<32x144xf32, #tpu.memory_space<vmem_shared>>
      %dma_start3A_104 = arith.constant 0 : i32
      %dma_start3A_105 = tpu.memref_slice %arg13[%add3A_50, %dma_start3A_104] : memref<10240x144xf32, #tpu.memory_space<vmem_shared>> -> memref<32x144xf32, #tpu.memory_space<vmem_shared>>
      tpu.enqueue_dma source(%arg12 : memref<32x144xf32, #tpu.memory_space<vmem>>) target(%dma_start3A_105 : memref<32x144xf32, #tpu.memory_space<vmem_shared>>) target_semaphore(%run_scoped3A : memref<!tpu.dma_semaphore, #tpu.memory_space<semaphore_mem>>)
      %dma_wait3A = arith.constant 0 : i32
      %dma_wait3A_106 = tpu.memref_slice %arg13[%add3A_50, %dma_wait3A] : memref<10240x144xf32, #tpu.memory_space<vmem_shared>> -> memref<32x144xf32, #tpu.memory_space<vmem_shared>>
      %dma_wait3A_107 = arith.constant 0 : i32
      %dma_wait3A_108 = tpu.memref_slice %arg13[%add3A_50, %dma_wait3A_107] : memref<10240x144xf32, #tpu.memory_space<vmem_shared>> -> memref<32x144xf32, #tpu.memory_space<vmem_shared>>
      tpu.wait_dma2 semaphore(%run_scoped3A : memref<!tpu.dma_semaphore, #tpu.memory_space<semaphore_mem>>) src(%arg12 : memref<32x144xf32, #tpu.memory_space<vmem>>) dst(%dma_wait3A_108 : memref<32x144xf32, #tpu.memory_space<vmem_shared>>)
      tpu.yield
    }) : () -> ()
    %mul3A_51 = arith.constant 640 : i32
    %mul3A_52 = arith.muli %arg1, %mul3A_51 : i32
    %add3A_53 = arith.constant 352 : i32
    %add3A_54 = arith.addi %mul3A_52, %add3A_53 : i32
    "tpu.region"() ({
      %run_scoped3A = tpu.sem_alloc : memref<!tpu.dma_semaphore, #tpu.memory_space<semaphore_mem>>
      %dma_start3A = arith.constant 0 : i32
      %dma_start3A_103 = tpu.memref_slice %arg13[%add3A_54, %dma_start3A] : memref<10240x144xf32, #tpu.memory_space<vmem_shared>> -> memref<32x144xf32, #tpu.memory_space<vmem_shared>>
      %dma_start3A_104 = arith.constant 0 : i32
      %dma_start3A_105 = tpu.memref_slice %arg13[%add3A_54, %dma_start3A_104] : memref<10240x144xf32, #tpu.memory_space<vmem_shared>> -> memref<32x144xf32, #tpu.memory_space<vmem_shared>>
      tpu.enqueue_dma source(%arg12 : memref<32x144xf32, #tpu.memory_space<vmem>>) target(%dma_start3A_105 : memref<32x144xf32, #tpu.memory_space<vmem_shared>>) target_semaphore(%run_scoped3A : memref<!tpu.dma_semaphore, #tpu.memory_space<semaphore_mem>>)
      %dma_wait3A = arith.constant 0 : i32
      %dma_wait3A_106 = tpu.memref_slice %arg13[%add3A_54, %dma_wait3A] : memref<10240x144xf32, #tpu.memory_space<vmem_shared>> -> memref<32x144xf32, #tpu.memory_space<vmem_shared>>
      %dma_wait3A_107 = arith.constant 0 : i32
      %dma_wait3A_108 = tpu.memref_slice %arg13[%add3A_54, %dma_wait3A_107] : memref<10240x144xf32, #tpu.memory_space<vmem_shared>> -> memref<32x144xf32, #tpu.memory_space<vmem_shared>>
      tpu.wait_dma2 semaphore(%run_scoped3A : memref<!tpu.dma_semaphore, #tpu.memory_space<semaphore_mem>>) src(%arg12 : memref<32x144xf32, #tpu.memory_space<vmem>>) dst(%dma_wait3A_108 : memref<32x144xf32, #tpu.memory_space<vmem_shared>>)
      tpu.yield
    }) : () -> ()
    %mul3A_55 = arith.constant 640 : i32
    %mul3A_56 = arith.muli %arg1, %mul3A_55 : i32
    %add3A_57 = arith.constant 384 : i32
    %add3A_58 = arith.addi %mul3A_56, %add3A_57 : i32
    "tpu.region"() ({
      %run_scoped3A = tpu.sem_alloc : memref<!tpu.dma_semaphore, #tpu.memory_space<semaphore_mem>>
      %dma_start3A = arith.constant 0 : i32
      %dma_start3A_103 = tpu.memref_slice %arg13[%add3A_58, %dma_start3A] : memref<10240x144xf32, #tpu.memory_space<vmem_shared>> -> memref<32x144xf32, #tpu.memory_space<vmem_shared>>
      %dma_start3A_104 = arith.constant 0 : i32
      %dma_start3A_105 = tpu.memref_slice %arg13[%add3A_58, %dma_start3A_104] : memref<10240x144xf32, #tpu.memory_space<vmem_shared>> -> memref<32x144xf32, #tpu.memory_space<vmem_shared>>
      tpu.enqueue_dma source(%arg12 : memref<32x144xf32, #tpu.memory_space<vmem>>) target(%dma_start3A_105 : memref<32x144xf32, #tpu.memory_space<vmem_shared>>) target_semaphore(%run_scoped3A : memref<!tpu.dma_semaphore, #tpu.memory_space<semaphore_mem>>)
      %dma_wait3A = arith.constant 0 : i32
      %dma_wait3A_106 = tpu.memref_slice %arg13[%add3A_58, %dma_wait3A] : memref<10240x144xf32, #tpu.memory_space<vmem_shared>> -> memref<32x144xf32, #tpu.memory_space<vmem_shared>>
      %dma_wait3A_107 = arith.constant 0 : i32
      %dma_wait3A_108 = tpu.memref_slice %arg13[%add3A_58, %dma_wait3A_107] : memref<10240x144xf32, #tpu.memory_space<vmem_shared>> -> memref<32x144xf32, #tpu.memory_space<vmem_shared>>
      tpu.wait_dma2 semaphore(%run_scoped3A : memref<!tpu.dma_semaphore, #tpu.memory_space<semaphore_mem>>) src(%arg12 : memref<32x144xf32, #tpu.memory_space<vmem>>) dst(%dma_wait3A_108 : memref<32x144xf32, #tpu.memory_space<vmem_shared>>)
      tpu.yield
    }) : () -> ()
    %mul3A_59 = arith.constant 640 : i32
    %mul3A_60 = arith.muli %arg1, %mul3A_59 : i32
    %add3A_61 = arith.constant 416 : i32
    %add3A_62 = arith.addi %mul3A_60, %add3A_61 : i32
    "tpu.region"() ({
      %run_scoped3A = tpu.sem_alloc : memref<!tpu.dma_semaphore, #tpu.memory_space<semaphore_mem>>
      %dma_start3A = arith.constant 0 : i32
      %dma_start3A_103 = tpu.memref_slice %arg13[%add3A_62, %dma_start3A] : memref<10240x144xf32, #tpu.memory_space<vmem_shared>> -> memref<32x144xf32, #tpu.memory_space<vmem_shared>>
      %dma_start3A_104 = arith.constant 0 : i32
      %dma_start3A_105 = tpu.memref_slice %arg13[%add3A_62, %dma_start3A_104] : memref<10240x144xf32, #tpu.memory_space<vmem_shared>> -> memref<32x144xf32, #tpu.memory_space<vmem_shared>>
      tpu.enqueue_dma source(%arg12 : memref<32x144xf32, #tpu.memory_space<vmem>>) target(%dma_start3A_105 : memref<32x144xf32, #tpu.memory_space<vmem_shared>>) target_semaphore(%run_scoped3A : memref<!tpu.dma_semaphore, #tpu.memory_space<semaphore_mem>>)
      %dma_wait3A = arith.constant 0 : i32
      %dma_wait3A_106 = tpu.memref_slice %arg13[%add3A_62, %dma_wait3A] : memref<10240x144xf32, #tpu.memory_space<vmem_shared>> -> memref<32x144xf32, #tpu.memory_space<vmem_shared>>
      %dma_wait3A_107 = arith.constant 0 : i32
      %dma_wait3A_108 = tpu.memref_slice %arg13[%add3A_62, %dma_wait3A_107] : memref<10240x144xf32, #tpu.memory_space<vmem_shared>> -> memref<32x144xf32, #tpu.memory_space<vmem_shared>>
      tpu.wait_dma2 semaphore(%run_scoped3A : memref<!tpu.dma_semaphore, #tpu.memory_space<semaphore_mem>>) src(%arg12 : memref<32x144xf32, #tpu.memory_space<vmem>>) dst(%dma_wait3A_108 : memref<32x144xf32, #tpu.memory_space<vmem_shared>>)
      tpu.yield
    }) : () -> ()
    %mul3A_63 = arith.constant 640 : i32
    %mul3A_64 = arith.muli %arg1, %mul3A_63 : i32
    %add3A_65 = arith.constant 448 : i32
    %add3A_66 = arith.addi %mul3A_64, %add3A_65 : i32
    "tpu.region"() ({
      %run_scoped3A = tpu.sem_alloc : memref<!tpu.dma_semaphore, #tpu.memory_space<semaphore_mem>>
      %dma_start3A = arith.constant 0 : i32
      %dma_start3A_103 = tpu.memref_slice %arg13[%add3A_66, %dma_start3A] : memref<10240x144xf32, #tpu.memory_space<vmem_shared>> -> memref<32x144xf32, #tpu.memory_space<vmem_shared>>
      %dma_start3A_104 = arith.constant 0 : i32
      %dma_start3A_105 = tpu.memref_slice %arg13[%add3A_66, %dma_start3A_104] : memref<10240x144xf32, #tpu.memory_space<vmem_shared>> -> memref<32x144xf32, #tpu.memory_space<vmem_shared>>
      tpu.enqueue_dma source(%arg12 : memref<32x144xf32, #tpu.memory_space<vmem>>) target(%dma_start3A_105 : memref<32x144xf32, #tpu.memory_space<vmem_shared>>) target_semaphore(%run_scoped3A : memref<!tpu.dma_semaphore, #tpu.memory_space<semaphore_mem>>)
      %dma_wait3A = arith.constant 0 : i32
      %dma_wait3A_106 = tpu.memref_slice %arg13[%add3A_66, %dma_wait3A] : memref<10240x144xf32, #tpu.memory_space<vmem_shared>> -> memref<32x144xf32, #tpu.memory_space<vmem_shared>>
      %dma_wait3A_107 = arith.constant 0 : i32
      %dma_wait3A_108 = tpu.memref_slice %arg13[%add3A_66, %dma_wait3A_107] : memref<10240x144xf32, #tpu.memory_space<vmem_shared>> -> memref<32x144xf32, #tpu.memory_space<vmem_shared>>
      tpu.wait_dma2 semaphore(%run_scoped3A : memref<!tpu.dma_semaphore, #tpu.memory_space<semaphore_mem>>) src(%arg12 : memref<32x144xf32, #tpu.memory_space<vmem>>) dst(%dma_wait3A_108 : memref<32x144xf32, #tpu.memory_space<vmem_shared>>)
      tpu.yield
    }) : () -> ()
    %mul3A_67 = arith.constant 640 : i32
    %mul3A_68 = arith.muli %arg1, %mul3A_67 : i32
    %add3A_69 = arith.constant 480 : i32
    %add3A_70 = arith.addi %mul3A_68, %add3A_69 : i32
    "tpu.region"() ({
      %run_scoped3A = tpu.sem_alloc : memref<!tpu.dma_semaphore, #tpu.memory_space<semaphore_mem>>
      %dma_start3A = arith.constant 0 : i32
      %dma_start3A_103 = tpu.memref_slice %arg13[%add3A_70, %dma_start3A] : memref<10240x144xf32, #tpu.memory_space<vmem_shared>> -> memref<32x144xf32, #tpu.memory_space<vmem_shared>>
      %dma_start3A_104 = arith.constant 0 : i32
      %dma_start3A_105 = tpu.memref_slice %arg13[%add3A_70, %dma_start3A_104] : memref<10240x144xf32, #tpu.memory_space<vmem_shared>> -> memref<32x144xf32, #tpu.memory_space<vmem_shared>>
      tpu.enqueue_dma source(%arg12 : memref<32x144xf32, #tpu.memory_space<vmem>>) target(%dma_start3A_105 : memref<32x144xf32, #tpu.memory_space<vmem_shared>>) target_semaphore(%run_scoped3A : memref<!tpu.dma_semaphore, #tpu.memory_space<semaphore_mem>>)
      %dma_wait3A = arith.constant 0 : i32
      %dma_wait3A_106 = tpu.memref_slice %arg13[%add3A_70, %dma_wait3A] : memref<10240x144xf32, #tpu.memory_space<vmem_shared>> -> memref<32x144xf32, #tpu.memory_space<vmem_shared>>
      %dma_wait3A_107 = arith.constant 0 : i32
      %dma_wait3A_108 = tpu.memref_slice %arg13[%add3A_70, %dma_wait3A_107] : memref<10240x144xf32, #tpu.memory_space<vmem_shared>> -> memref<32x144xf32, #tpu.memory_space<vmem_shared>>
      tpu.wait_dma2 semaphore(%run_scoped3A : memref<!tpu.dma_semaphore, #tpu.memory_space<semaphore_mem>>) src(%arg12 : memref<32x144xf32, #tpu.memory_space<vmem>>) dst(%dma_wait3A_108 : memref<32x144xf32, #tpu.memory_space<vmem_shared>>)
      tpu.yield
    }) : () -> ()
    %mul3A_71 = arith.constant 640 : i32
    %mul3A_72 = arith.muli %arg1, %mul3A_71 : i32
    %add3A_73 = arith.constant 512 : i32
    %add3A_74 = arith.addi %mul3A_72, %add3A_73 : i32
    "tpu.region"() ({
      %run_scoped3A = tpu.sem_alloc : memref<!tpu.dma_semaphore, #tpu.memory_space<semaphore_mem>>
      %dma_start3A = arith.constant 0 : i32
      %dma_start3A_103 = tpu.memref_slice %arg13[%add3A_74, %dma_start3A] : memref<10240x144xf32, #tpu.memory_space<vmem_shared>> -> memref<32x144xf32, #tpu.memory_space<vmem_shared>>
      %dma_start3A_104 = arith.constant 0 : i32
      %dma_start3A_105 = tpu.memref_slice %arg13[%add3A_74, %dma_start3A_104] : memref<10240x144xf32, #tpu.memory_space<vmem_shared>> -> memref<32x144xf32, #tpu.memory_space<vmem_shared>>
      tpu.enqueue_dma source(%arg12 : memref<32x144xf32, #tpu.memory_space<vmem>>) target(%dma_start3A_105 : memref<32x144xf32, #tpu.memory_space<vmem_shared>>) target_semaphore(%run_scoped3A : memref<!tpu.dma_semaphore, #tpu.memory_space<semaphore_mem>>)
      %dma_wait3A = arith.constant 0 : i32
      %dma_wait3A_106 = tpu.memref_slice %arg13[%add3A_74, %dma_wait3A] : memref<10240x144xf32, #tpu.memory_space<vmem_shared>> -> memref<32x144xf32, #tpu.memory_space<vmem_shared>>
      %dma_wait3A_107 = arith.constant 0 : i32
      %dma_wait3A_108 = tpu.memref_slice %arg13[%add3A_74, %dma_wait3A_107] : memref<10240x144xf32, #tpu.memory_space<vmem_shared>> -> memref<32x144xf32, #tpu.memory_space<vmem_shared>>
      tpu.wait_dma2 semaphore(%run_scoped3A : memref<!tpu.dma_semaphore, #tpu.memory_space<semaphore_mem>>) src(%arg12 : memref<32x144xf32, #tpu.memory_space<vmem>>) dst(%dma_wait3A_108 : memref<32x144xf32, #tpu.memory_space<vmem_shared>>)
      tpu.yield
    }) : () -> ()
    %mul3A_75 = arith.constant 640 : i32
    %mul3A_76 = arith.muli %arg1, %mul3A_75 : i32
    %add3A_77 = arith.constant 544 : i32
    %add3A_78 = arith.addi %mul3A_76, %add3A_77 : i32
    "tpu.region"() ({
      %run_scoped3A = tpu.sem_alloc : memref<!tpu.dma_semaphore, #tpu.memory_space<semaphore_mem>>
      %dma_start3A = arith.constant 0 : i32
      %dma_start3A_103 = tpu.memref_slice %arg13[%add3A_78, %dma_start3A] : memref<10240x144xf32, #tpu.memory_space<vmem_shared>> -> memref<32x144xf32, #tpu.memory_space<vmem_shared>>
      %dma_start3A_104 = arith.constant 0 : i32
      %dma_start3A_105 = tpu.memref_slice %arg13[%add3A_78, %dma_start3A_104] : memref<10240x144xf32, #tpu.memory_space<vmem_shared>> -> memref<32x144xf32, #tpu.memory_space<vmem_shared>>
      tpu.enqueue_dma source(%arg12 : memref<32x144xf32, #tpu.memory_space<vmem>>) target(%dma_start3A_105 : memref<32x144xf32, #tpu.memory_space<vmem_shared>>) target_semaphore(%run_scoped3A : memref<!tpu.dma_semaphore, #tpu.memory_space<semaphore_mem>>)
      %dma_wait3A = arith.constant 0 : i32
      %dma_wait3A_106 = tpu.memref_slice %arg13[%add3A_78, %dma_wait3A] : memref<10240x144xf32, #tpu.memory_space<vmem_shared>> -> memref<32x144xf32, #tpu.memory_space<vmem_shared>>
      %dma_wait3A_107 = arith.constant 0 : i32
      %dma_wait3A_108 = tpu.memref_slice %arg13[%add3A_78, %dma_wait3A_107] : memref<10240x144xf32, #tpu.memory_space<vmem_shared>> -> memref<32x144xf32, #tpu.memory_space<vmem_shared>>
      tpu.wait_dma2 semaphore(%run_scoped3A : memref<!tpu.dma_semaphore, #tpu.memory_space<semaphore_mem>>) src(%arg12 : memref<32x144xf32, #tpu.memory_space<vmem>>) dst(%dma_wait3A_108 : memref<32x144xf32, #tpu.memory_space<vmem_shared>>)
      tpu.yield
    }) : () -> ()
    %mul3A_79 = arith.constant 640 : i32
    %mul3A_80 = arith.muli %arg1, %mul3A_79 : i32
    %add3A_81 = arith.constant 576 : i32
    %add3A_82 = arith.addi %mul3A_80, %add3A_81 : i32
    "tpu.region"() ({
      %run_scoped3A = tpu.sem_alloc : memref<!tpu.dma_semaphore, #tpu.memory_space<semaphore_mem>>
      %dma_start3A = arith.constant 0 : i32
      %dma_start3A_103 = tpu.memref_slice %arg13[%add3A_82, %dma_start3A] : memref<10240x144xf32, #tpu.memory_space<vmem_shared>> -> memref<32x144xf32, #tpu.memory_space<vmem_shared>>
      %dma_start3A_104 = arith.constant 0 : i32
      %dma_start3A_105 = tpu.memref_slice %arg13[%add3A_82, %dma_start3A_104] : memref<10240x144xf32, #tpu.memory_space<vmem_shared>> -> memref<32x144xf32, #tpu.memory_space<vmem_shared>>
      tpu.enqueue_dma source(%arg12 : memref<32x144xf32, #tpu.memory_space<vmem>>) target(%dma_start3A_105 : memref<32x144xf32, #tpu.memory_space<vmem_shared>>) target_semaphore(%run_scoped3A : memref<!tpu.dma_semaphore, #tpu.memory_space<semaphore_mem>>)
      %dma_wait3A = arith.constant 0 : i32
      %dma_wait3A_106 = tpu.memref_slice %arg13[%add3A_82, %dma_wait3A] : memref<10240x144xf32, #tpu.memory_space<vmem_shared>> -> memref<32x144xf32, #tpu.memory_space<vmem_shared>>
      %dma_wait3A_107 = arith.constant 0 : i32
      %dma_wait3A_108 = tpu.memref_slice %arg13[%add3A_82, %dma_wait3A_107] : memref<10240x144xf32, #tpu.memory_space<vmem_shared>> -> memref<32x144xf32, #tpu.memory_space<vmem_shared>>
      tpu.wait_dma2 semaphore(%run_scoped3A : memref<!tpu.dma_semaphore, #tpu.memory_space<semaphore_mem>>) src(%arg12 : memref<32x144xf32, #tpu.memory_space<vmem>>) dst(%dma_wait3A_108 : memref<32x144xf32, #tpu.memory_space<vmem_shared>>)
      tpu.yield
    }) : () -> ()
    %mul3A_83 = arith.constant 640 : i32
    %mul3A_84 = arith.muli %arg1, %mul3A_83 : i32
    %add3A_85 = arith.constant 608 : i32
    %add3A_86 = arith.addi %mul3A_84, %add3A_85 : i32
    "tpu.region"() ({
      %run_scoped3A = tpu.sem_alloc : memref<!tpu.dma_semaphore, #tpu.memory_space<semaphore_mem>>
      %dma_start3A = arith.constant 0 : i32
      %dma_start3A_103 = tpu.memref_slice %arg13[%add3A_86, %dma_start3A] : memref<10240x144xf32, #tpu.memory_space<vmem_shared>> -> memref<32x144xf32, #tpu.memory_space<vmem_shared>>
      %dma_start3A_104 = arith.constant 0 : i32
      %dma_start3A_105 = tpu.memref_slice %arg13[%add3A_86, %dma_start3A_104] : memref<10240x144xf32, #tpu.memory_space<vmem_shared>> -> memref<32x144xf32, #tpu.memory_space<vmem_shared>>
      tpu.enqueue_dma source(%arg12 : memref<32x144xf32, #tpu.memory_space<vmem>>) target(%dma_start3A_105 : memref<32x144xf32, #tpu.memory_space<vmem_shared>>) target_semaphore(%run_scoped3A : memref<!tpu.dma_semaphore, #tpu.memory_space<semaphore_mem>>)
      %dma_wait3A = arith.constant 0 : i32
      %dma_wait3A_106 = tpu.memref_slice %arg13[%add3A_86, %dma_wait3A] : memref<10240x144xf32, #tpu.memory_space<vmem_shared>> -> memref<32x144xf32, #tpu.memory_space<vmem_shared>>
      %dma_wait3A_107 = arith.constant 0 : i32
      %dma_wait3A_108 = tpu.memref_slice %arg13[%add3A_86, %dma_wait3A_107] : memref<10240x144xf32, #tpu.memory_space<vmem_shared>> -> memref<32x144xf32, #tpu.memory_space<vmem_shared>>
      tpu.wait_dma2 semaphore(%run_scoped3A : memref<!tpu.dma_semaphore, #tpu.memory_space<semaphore_mem>>) src(%arg12 : memref<32x144xf32, #tpu.memory_space<vmem>>) dst(%dma_wait3A_108 : memref<32x144xf32, #tpu.memory_space<vmem_shared>>)
      tpu.yield
    }) : () -> ()
    %barrier3A = arith.constant 0 : index
    tpu.barrier barrier_id(%barrier3A)
    %mul3A_87 = arith.constant 20000 : i32
    %mul3A_88 = arith.muli %add3A, %mul3A_87 : i32
    %iota3A = tpu.iota {dimensions = array<i32: 0>} : vector<16xi32>
    %lt3A = arith.constant 8 : i32
    %lt3A_89 = vector.broadcast %lt3A : i32 to vector<16xi32>
    %lt3A_90 = arith.cmpi slt, %iota3A, %lt3A_89 : vector<16xi32>
    %scan3A_91 = arith.constant 0 : i32
    %scan3A_92 = arith.constant 0 : i32
    %scan3A_93 = arith.constant 250 : i32
    %scan3A_94 = arith.addi %scan3A_92, %scan3A_93 : i32
    %scan3A_95 = arith.constant 1 : i32
    %scan3A_96 = scf.for %scan3A_103 = %scan3A_92 to %scan3A_94 step %scan3A_95 iter_args(%scan3A_104 = %scan3A_91) -> (i32)  : i32 {
      %mul3A_105 = arith.constant 80 : i32
      %mul3A_106 = arith.muli %scan3A_103, %mul3A_105 : i32
      %add3A_107 = arith.addi %mul3A_88, %mul3A_106 : i32
      "tpu.region"() ({
        %run_scoped3A = tpu.sem_alloc : memref<!tpu.dma_semaphore, #tpu.memory_space<semaphore_mem>>
        %dma_start3A_126 = tpu.memref_slice %arg4[%add3A_107] : memref<640000xi32, #tpu.memory_space<hbm>> -> memref<80xi32, #tpu.memory_space<hbm>>
        %dma_start3A_127 = tpu.memref_slice %arg4[%add3A_107] : memref<640000xi32, #tpu.memory_space<hbm>> -> memref<80xi32, #tpu.memory_space<hbm>>
        tpu.enqueue_dma source(%dma_start3A_127 : memref<80xi32, #tpu.memory_space<hbm>>) target(%arg7 : memref<80xi32, #tpu.memory_space<vmem>>) target_semaphore(%run_scoped3A : memref<!tpu.dma_semaphore, #tpu.memory_space<semaphore_mem>>)
        %dma_wait3A_128 = tpu.memref_slice %arg4[%add3A_107] : memref<640000xi32, #tpu.memory_space<hbm>> -> memref<80xi32, #tpu.memory_space<hbm>>
        %dma_wait3A_129 = tpu.memref_slice %arg4[%add3A_107] : memref<640000xi32, #tpu.memory_space<hbm>> -> memref<80xi32, #tpu.memory_space<hbm>>
        tpu.wait_dma2 semaphore(%run_scoped3A : memref<!tpu.dma_semaphore, #tpu.memory_space<semaphore_mem>>) src(%dma_wait3A_129 : memref<80xi32, #tpu.memory_space<hbm>>) dst(%arg7 : memref<80xi32, #tpu.memory_space<vmem>>)
        tpu.yield
      }) : () -> ()
      "tpu.region"() ({
        %run_scoped3A = tpu.sem_alloc : memref<!tpu.dma_semaphore, #tpu.memory_space<semaphore_mem>>
        %dma_start3A_126 = tpu.memref_slice %arg5[%add3A_107] : memref<640000xi32, #tpu.memory_space<hbm>> -> memref<80xi32, #tpu.memory_space<hbm>>
        %dma_start3A_127 = tpu.memref_slice %arg5[%add3A_107] : memref<640000xi32, #tpu.memory_space<hbm>> -> memref<80xi32, #tpu.memory_space<hbm>>
        tpu.enqueue_dma source(%dma_start3A_127 : memref<80xi32, #tpu.memory_space<hbm>>) target(%arg8 : memref<80xi32, #tpu.memory_space<vmem>>) target_semaphore(%run_scoped3A : memref<!tpu.dma_semaphore, #tpu.memory_space<semaphore_mem>>)
        %dma_wait3A_128 = tpu.memref_slice %arg5[%add3A_107] : memref<640000xi32, #tpu.memory_space<hbm>> -> memref<80xi32, #tpu.memory_space<hbm>>
        %dma_wait3A_129 = tpu.memref_slice %arg5[%add3A_107] : memref<640000xi32, #tpu.memory_space<hbm>> -> memref<80xi32, #tpu.memory_space<hbm>>
        tpu.wait_dma2 semaphore(%run_scoped3A : memref<!tpu.dma_semaphore, #tpu.memory_space<semaphore_mem>>) src(%dma_wait3A_129 : memref<80xi32, #tpu.memory_space<hbm>>) dst(%arg8 : memref<80xi32, #tpu.memory_space<vmem>>)
        tpu.yield
      }) : () -> ()
      %dma_start3A = arith.constant 0 : i32
      %dma_start3A_108 = arith.constant 0 : i32
      %dma_start3A_109 = tpu.memref_slice %arg2[%dma_start3A, %dma_start3A_108] : memref<10000x144xf32, #tpu.memory_space<hbm>> -> memref<10000x144xf32, #tpu.memory_space<hbm>>
      tpu.enqueue_indirect_dma source(%dma_start3A_109 : memref<10000x144xf32, #tpu.memory_space<hbm>>) target(%arg9 : memref<80x144xf32, #tpu.memory_space<vmem>>) offsets(%arg7 : memref<80xi32, #tpu.memory_space<vmem>>) semaphore(%arg14 : memref<!tpu.dma_semaphore, #tpu.memory_space<semaphore_mem>>)
      %dma_start3A_110 = arith.constant 0 : i32
      %dma_start3A_111 = arith.constant 0 : i32
      %dma_start3A_112 = tpu.memref_slice %arg3[%dma_start3A_110, %dma_start3A_111] : memref<10000x16xf32, #tpu.memory_space<hbm>> -> memref<10000x16xf32, #tpu.memory_space<hbm>>
      tpu.enqueue_indirect_dma source(%dma_start3A_112 : memref<10000x16xf32, #tpu.memory_space<hbm>>) target(%arg10 : memref<80x16xf32, #tpu.memory_space<vmem>>) offsets(%arg8 : memref<80xi32, #tpu.memory_space<vmem>>) semaphore(%arg15 : memref<!tpu.dma_semaphore, #tpu.memory_space<semaphore_mem>>)
      %dma_wait3A = arith.constant 0 : i32
      %dma_wait3A_113 = arith.constant 0 : i32
      %dma_wait3A_114 = tpu.memref_slice %arg2[%dma_wait3A, %dma_wait3A_113] : memref<10000x144xf32, #tpu.memory_space<hbm>> -> memref<10000x144xf32, #tpu.memory_space<hbm>>
      tpu.wait_indirect_dma semaphore(%arg14 : memref<!tpu.dma_semaphore, #tpu.memory_space<semaphore_mem>>) src(%dma_wait3A_114 : memref<10000x144xf32, #tpu.memory_space<hbm>>) dst(%arg9 : memref<80x144xf32, #tpu.memory_space<vmem>>)
      %dma_wait3A_115 = arith.constant 0 : i32
      %dma_wait3A_116 = arith.constant 0 : i32
      %dma_wait3A_117 = tpu.memref_slice %arg3[%dma_wait3A_115, %dma_wait3A_116] : memref<10000x16xf32, #tpu.memory_space<hbm>> -> memref<10000x16xf32, #tpu.memory_space<hbm>>
      tpu.wait_indirect_dma semaphore(%arg15 : memref<!tpu.dma_semaphore, #tpu.memory_space<semaphore_mem>>) src(%dma_wait3A_117 : memref<10000x16xf32, #tpu.memory_space<hbm>>) dst(%arg10 : memref<80x16xf32, #tpu.memory_space<vmem>>)
      %scan3A_118 = arith.constant 0 : i32
      %scan3A_119 = arith.constant 0 : i32
      %scan3A_120 = arith.constant 80 : i32
      %scan3A_121 = arith.addi %scan3A_119, %scan3A_120 : i32
      %scan3A_122 = arith.constant 1 : i32
      %scan3A_123 = scf.for %scan3A_126 = %scan3A_119 to %scan3A_121 step %scan3A_122 iter_args(%scan3A_127 = %scan3A_118) -> (i32)  : i32 {
        %get3A = arith.index_cast %scan3A_126 : i32 to index
        %get3A_128 = arith.constant 128 : index
        %get3A_129 = tpu.vector_load %arg9[%get3A, %get3A_128] {strides = array<i32>} : memref<80x144xf32, #tpu.memory_space<vmem>>, vector<1x16xf32>,
        %get3A_130 = vector.shape_cast %get3A_129 : vector<1x16xf32> to vector<16xf32>
        %get3A_131 = arith.index_cast %scan3A_126 : i32 to index
        %get3A_132 = arith.constant 0 : index
        %get3A_133 = tpu.vector_load %arg10[%get3A_131, %get3A_132] {strides = array<i32>} : memref<80x16xf32, #tpu.memory_space<vmem>>, vector<1x16xf32>,
        %get3A_134 = vector.shape_cast %get3A_133 : vector<1x16xf32> to vector<16xf32>
        %add3A_135 = arith.addf %get3A_130, %get3A_134 : vector<16xf32>
        %mul3A_136 = arith.constant 2.000000e-01 : f32
        %mul3A_137 = vector.broadcast %mul3A_136 : f32 to vector<16xf32>
        %mul3A_138 = arith.mulf %mul3A_137, %add3A_135 : vector<16xf32>
        %max3A = arith.maximumf %add3A_135, %mul3A_138 : vector<16xf32>
        %iota3A_139 = tpu.iota {dimensions = array<i32: 0>} : vector<16xi32>
        %and3A = arith.constant 7 : i32
        %and3A_140 = vector.broadcast %and3A : i32 to vector<16xi32>
        %and3A_141 = arith.andi %iota3A_139, %and3A_140 : vector<16xi32>
        %add3A_142 = arith.constant 8 : i32
        %add3A_143 = vector.broadcast %add3A_142 : i32 to vector<16xi32>
        %add3A_144 = arith.addi %and3A_141, %add3A_143 : vector<16xi32>
        %broadcast_in_dim3A = vector.shape_cast %add3A_144 : vector<16xi32> to vector<16x1xi32>
        %gather3A = vector.shape_cast %broadcast_in_dim3A : vector<16x1xi32> to vector<16xi32>
        %gather3A_145 = tpu.dynamic_gather %get3A_134[%gather3A] in [0] : vector<16xf32>, vector<16xi32> -> vector<16xf32>
        %sub3A = arith.subf %max3A, %gather3A_145 : vector<16xf32>
        %exp3A = math.exp %sub3A : vector<16xf32>
        %jit3A = arith.constant 0.000000e+00 : f32
        %broadcast_in_dim3A_146 = vector.broadcast %jit3A : f32 to vector<16xf32>
        %select_n3A = arith.select %lt3A_90, %exp3A, %broadcast_in_dim3A_146 : vector<16xi1>, vector<16xf32>
        %swap3A = arith.index_cast %scan3A_126 : i32 to index
        %swap3A_147 = arith.constant 128 : index
        %swap3A_148 = tpu.vector_load %arg11[%swap3A, %swap3A_147] {strides = array<i32>} : memref<80x144xf32, #tpu.memory_space<vmem>>, vector<1x16xf32>,
        %swap3A_149 = vector.shape_cast %swap3A_148 : vector<1x16xf32> to vector<16xf32>
        %swap3A_150 = vector.shape_cast %select_n3A : vector<16xf32> to vector<1x16xf32>
        tpu.vector_store %arg11[%swap3A, %swap3A_147], %swap3A_150 {strides = array<i32>} : memref<80x144xf32, #tpu.memory_space<vmem>>, vector<1x16xf32>,
        %iota3A_151 = tpu.iota {dimensions = array<i32: 0>} : vector<16xi32>
        %and3A_152 = arith.constant 0 : i32
        %and3A_153 = vector.broadcast %and3A_152 : i32 to vector<16xi32>
        %and3A_154 = arith.andi %iota3A_151, %and3A_153 : vector<16xi32>
        %add3A_155 = arith.constant 0 : i32
        %add3A_156 = vector.broadcast %add3A_155 : i32 to vector<16xi32>
        %add3A_157 = arith.addi %and3A_154, %add3A_156 : vector<16xi32>
        %broadcast_in_dim3A_158 = vector.shape_cast %add3A_157 : vector<16xi32> to vector<16x1xi32>
        %gather3A_159 = vector.shape_cast %broadcast_in_dim3A_158 : vector<16x1xi32> to vector<16xi32>
        %gather3A_160 = tpu.dynamic_gather %exp3A[%gather3A_159] in [0] : vector<16xf32>, vector<16xi32> -> vector<16xf32>
        %get3A_161 = arith.index_cast %scan3A_126 : i32 to index
        %get3A_162 = arith.constant 0 : index
        %get3A_163 = tpu.vector_load %arg9[%get3A_161, %get3A_162] {strides = array<i32>} : memref<80x144xf32, #tpu.memory_space<vmem>>, vector<1x16xf32>,
        %get3A_164 = vector.shape_cast %get3A_163 : vector<1x16xf32> to vector<16xf32>
        %mul3A_165 = arith.mulf %get3A_164, %gather3A_160 : vector<16xf32>
        %swap3A_166 = arith.index_cast %scan3A_126 : i32 to index
        %swap3A_167 = arith.constant 0 : index
        %swap3A_168 = tpu.vector_load %arg11[%swap3A_166, %swap3A_167] {strides = array<i32>} : memref<80x144xf32, #tpu.memory_space<vmem>>, vector<1x16xf32>,
        %swap3A_169 = vector.shape_cast %swap3A_168 : vector<1x16xf32> to vector<16xf32>
        %swap3A_170 = vector.shape_cast %mul3A_165 : vector<16xf32> to vector<1x16xf32>
        tpu.vector_store %arg11[%swap3A_166, %swap3A_167], %swap3A_170 {strides = array<i32>} : memref<80x144xf32, #tpu.memory_space<vmem>>, vector<1x16xf32>,
        %iota3A_171 = tpu.iota {dimensions = array<i32: 0>} : vector<16xi32>
        %and3A_172 = arith.constant 0 : i32
        %and3A_173 = vector.broadcast %and3A_172 : i32 to vector<16xi32>
        %and3A_174 = arith.andi %iota3A_171, %and3A_173 : vector<16xi32>
        %add3A_175 = arith.constant 1 : i32
        %add3A_176 = vector.broadcast %add3A_175 : i32 to vector<16xi32>
        %add3A_177 = arith.addi %and3A_174, %add3A_176 : vector<16xi32>
        %broadcast_in_dim3A_178 = vector.shape_cast %add3A_177 : vector<16xi32> to vector<16x1xi32>
        %gather3A_179 = vector.shape_cast %broadcast_in_dim3A_178 : vector<16x1xi32> to vector<16xi32>
        %gather3A_180 = tpu.dynamic_gather %exp3A[%gather3A_179] in [0] : vector<16xf32>, vector<16xi32> -> vector<16xf32>
        %get3A_181 = arith.index_cast %scan3A_126 : i32 to index
        %get3A_182 = arith.constant 16 : index
        %get3A_183 = tpu.vector_load %arg9[%get3A_181, %get3A_182] {strides = array<i32>} : memref<80x144xf32, #tpu.memory_space<vmem>>, vector<1x16xf32>,
        %get3A_184 = vector.shape_cast %get3A_183 : vector<1x16xf32> to vector<16xf32>
        %mul3A_185 = arith.mulf %get3A_184, %gather3A_180 : vector<16xf32>
        %swap3A_186 = arith.index_cast %scan3A_126 : i32 to index
        %swap3A_187 = arith.constant 16 : index
        %swap3A_188 = tpu.vector_load %arg11[%swap3A_186, %swap3A_187] {strides = array<i32>} : memref<80x144xf32, #tpu.memory_space<vmem>>, vector<1x16xf32>,
        %swap3A_189 = vector.shape_cast %swap3A_188 : vector<1x16xf32> to vector<16xf32>
        %swap3A_190 = vector.shape_cast %mul3A_185 : vector<16xf32> to vector<1x16xf32>
        tpu.vector_store %arg11[%swap3A_186, %swap3A_187], %swap3A_190 {strides = array<i32>} : memref<80x144xf32, #tpu.memory_space<vmem>>, vector<1x16xf32>,
        %iota3A_191 = tpu.iota {dimensions = array<i32: 0>} : vector<16xi32>
        %and3A_192 = arith.constant 0 : i32
        %and3A_193 = vector.broadcast %and3A_192 : i32 to vector<16xi32>
        %and3A_194 = arith.andi %iota3A_191, %and3A_193 : vector<16xi32>
        %add3A_195 = arith.constant 2 : i32
        %add3A_196 = vector.broadcast %add3A_195 : i32 to vector<16xi32>
        %add3A_197 = arith.addi %and3A_194, %add3A_196 : vector<16xi32>
        %broadcast_in_dim3A_198 = vector.shape_cast %add3A_197 : vector<16xi32> to vector<16x1xi32>
        %gather3A_199 = vector.shape_cast %broadcast_in_dim3A_198 : vector<16x1xi32> to vector<16xi32>
        %gather3A_200 = tpu.dynamic_gather %exp3A[%gather3A_199] in [0] : vector<16xf32>, vector<16xi32> -> vector<16xf32>
        %get3A_201 = arith.index_cast %scan3A_126 : i32 to index
        %get3A_202 = arith.constant 32 : index
        %get3A_203 = tpu.vector_load %arg9[%get3A_201, %get3A_202] {strides = array<i32>} : memref<80x144xf32, #tpu.memory_space<vmem>>, vector<1x16xf32>,
        %get3A_204 = vector.shape_cast %get3A_203 : vector<1x16xf32> to vector<16xf32>
        %mul3A_205 = arith.mulf %get3A_204, %gather3A_200 : vector<16xf32>
        %swap3A_206 = arith.index_cast %scan3A_126 : i32 to index
        %swap3A_207 = arith.constant 32 : index
        %swap3A_208 = tpu.vector_load %arg11[%swap3A_206, %swap3A_207] {strides = array<i32>} : memref<80x144xf32, #tpu.memory_space<vmem>>, vector<1x16xf32>,
        %swap3A_209 = vector.shape_cast %swap3A_208 : vector<1x16xf32> to vector<16xf32>
        %swap3A_210 = vector.shape_cast %mul3A_205 : vector<16xf32> to vector<1x16xf32>
        tpu.vector_store %arg11[%swap3A_206, %swap3A_207], %swap3A_210 {strides = array<i32>} : memref<80x144xf32, #tpu.memory_space<vmem>>, vector<1x16xf32>,
        %iota3A_211 = tpu.iota {dimensions = array<i32: 0>} : vector<16xi32>
        %and3A_212 = arith.constant 0 : i32
        %and3A_213 = vector.broadcast %and3A_212 : i32 to vector<16xi32>
        %and3A_214 = arith.andi %iota3A_211, %and3A_213 : vector<16xi32>
        %add3A_215 = arith.constant 3 : i32
        %add3A_216 = vector.broadcast %add3A_215 : i32 to vector<16xi32>
        %add3A_217 = arith.addi %and3A_214, %add3A_216 : vector<16xi32>
        %broadcast_in_dim3A_218 = vector.shape_cast %add3A_217 : vector<16xi32> to vector<16x1xi32>
        %gather3A_219 = vector.shape_cast %broadcast_in_dim3A_218 : vector<16x1xi32> to vector<16xi32>
        %gather3A_220 = tpu.dynamic_gather %exp3A[%gather3A_219] in [0] : vector<16xf32>, vector<16xi32> -> vector<16xf32>
        %get3A_221 = arith.index_cast %scan3A_126 : i32 to index
        %get3A_222 = arith.constant 48 : index
        %get3A_223 = tpu.vector_load %arg9[%get3A_221, %get3A_222] {strides = array<i32>} : memref<80x144xf32, #tpu.memory_space<vmem>>, vector<1x16xf32>,
        %get3A_224 = vector.shape_cast %get3A_223 : vector<1x16xf32> to vector<16xf32>
        %mul3A_225 = arith.mulf %get3A_224, %gather3A_220 : vector<16xf32>
        %swap3A_226 = arith.index_cast %scan3A_126 : i32 to index
        %swap3A_227 = arith.constant 48 : index
        %swap3A_228 = tpu.vector_load %arg11[%swap3A_226, %swap3A_227] {strides = array<i32>} : memref<80x144xf32, #tpu.memory_space<vmem>>, vector<1x16xf32>,
        %swap3A_229 = vector.shape_cast %swap3A_228 : vector<1x16xf32> to vector<16xf32>
        %swap3A_230 = vector.shape_cast %mul3A_225 : vector<16xf32> to vector<1x16xf32>
        tpu.vector_store %arg11[%swap3A_226, %swap3A_227], %swap3A_230 {strides = array<i32>} : memref<80x144xf32, #tpu.memory_space<vmem>>, vector<1x16xf32>,
        %iota3A_231 = tpu.iota {dimensions = array<i32: 0>} : vector<16xi32>
        %and3A_232 = arith.constant 0 : i32
        %and3A_233 = vector.broadcast %and3A_232 : i32 to vector<16xi32>
        %and3A_234 = arith.andi %iota3A_231, %and3A_233 : vector<16xi32>
        %add3A_235 = arith.constant 4 : i32
        %add3A_236 = vector.broadcast %add3A_235 : i32 to vector<16xi32>
        %add3A_237 = arith.addi %and3A_234, %add3A_236 : vector<16xi32>
        %broadcast_in_dim3A_238 = vector.shape_cast %add3A_237 : vector<16xi32> to vector<16x1xi32>
        %gather3A_239 = vector.shape_cast %broadcast_in_dim3A_238 : vector<16x1xi32> to vector<16xi32>
        %gather3A_240 = tpu.dynamic_gather %exp3A[%gather3A_239] in [0] : vector<16xf32>, vector<16xi32> -> vector<16xf32>
        %get3A_241 = arith.index_cast %scan3A_126 : i32 to index
        %get3A_242 = arith.constant 64 : index
        %get3A_243 = tpu.vector_load %arg9[%get3A_241, %get3A_242] {strides = array<i32>} : memref<80x144xf32, #tpu.memory_space<vmem>>, vector<1x16xf32>,
        %get3A_244 = vector.shape_cast %get3A_243 : vector<1x16xf32> to vector<16xf32>
        %mul3A_245 = arith.mulf %get3A_244, %gather3A_240 : vector<16xf32>
        %swap3A_246 = arith.index_cast %scan3A_126 : i32 to index
        %swap3A_247 = arith.constant 64 : index
        %swap3A_248 = tpu.vector_load %arg11[%swap3A_246, %swap3A_247] {strides = array<i32>} : memref<80x144xf32, #tpu.memory_space<vmem>>, vector<1x16xf32>,
        %swap3A_249 = vector.shape_cast %swap3A_248 : vector<1x16xf32> to vector<16xf32>
        %swap3A_250 = vector.shape_cast %mul3A_245 : vector<16xf32> to vector<1x16xf32>
        tpu.vector_store %arg11[%swap3A_246, %swap3A_247], %swap3A_250 {strides = array<i32>} : memref<80x144xf32, #tpu.memory_space<vmem>>, vector<1x16xf32>,
        %iota3A_251 = tpu.iota {dimensions = array<i32: 0>} : vector<16xi32>
        %and3A_252 = arith.constant 0 : i32
        %and3A_253 = vector.broadcast %and3A_252 : i32 to vector<16xi32>
        %and3A_254 = arith.andi %iota3A_251, %and3A_253 : vector<16xi32>
        %add3A_255 = arith.constant 5 : i32
        %add3A_256 = vector.broadcast %add3A_255 : i32 to vector<16xi32>
        %add3A_257 = arith.addi %and3A_254, %add3A_256 : vector<16xi32>
        %broadcast_in_dim3A_258 = vector.shape_cast %add3A_257 : vector<16xi32> to vector<16x1xi32>
        %gather3A_259 = vector.shape_cast %broadcast_in_dim3A_258 : vector<16x1xi32> to vector<16xi32>
        %gather3A_260 = tpu.dynamic_gather %exp3A[%gather3A_259] in [0] : vector<16xf32>, vector<16xi32> -> vector<16xf32>
        %get3A_261 = arith.index_cast %scan3A_126 : i32 to index
        %get3A_262 = arith.constant 80 : index
        %get3A_263 = tpu.vector_load %arg9[%get3A_261, %get3A_262] {strides = array<i32>} : memref<80x144xf32, #tpu.memory_space<vmem>>, vector<1x16xf32>,
        %get3A_264 = vector.shape_cast %get3A_263 : vector<1x16xf32> to vector<16xf32>
        %mul3A_265 = arith.mulf %get3A_264, %gather3A_260 : vector<16xf32>
        %swap3A_266 = arith.index_cast %scan3A_126 : i32 to index
        %swap3A_267 = arith.constant 80 : index
        %swap3A_268 = tpu.vector_load %arg11[%swap3A_266, %swap3A_267] {strides = array<i32>} : memref<80x144xf32, #tpu.memory_space<vmem>>, vector<1x16xf32>,
        %swap3A_269 = vector.shape_cast %swap3A_268 : vector<1x16xf32> to vector<16xf32>
        %swap3A_270 = vector.shape_cast %mul3A_265 : vector<16xf32> to vector<1x16xf32>
        tpu.vector_store %arg11[%swap3A_266, %swap3A_267], %swap3A_270 {strides = array<i32>} : memref<80x144xf32, #tpu.memory_space<vmem>>, vector<1x16xf32>,
        %iota3A_271 = tpu.iota {dimensions = array<i32: 0>} : vector<16xi32>
        %and3A_272 = arith.constant 0 : i32
        %and3A_273 = vector.broadcast %and3A_272 : i32 to vector<16xi32>
        %and3A_274 = arith.andi %iota3A_271, %and3A_273 : vector<16xi32>
        %add3A_275 = arith.constant 6 : i32
        %add3A_276 = vector.broadcast %add3A_275 : i32 to vector<16xi32>
        %add3A_277 = arith.addi %and3A_274, %add3A_276 : vector<16xi32>
        %broadcast_in_dim3A_278 = vector.shape_cast %add3A_277 : vector<16xi32> to vector<16x1xi32>
        %gather3A_279 = vector.shape_cast %broadcast_in_dim3A_278 : vector<16x1xi32> to vector<16xi32>
        %gather3A_280 = tpu.dynamic_gather %exp3A[%gather3A_279] in [0] : vector<16xf32>, vector<16xi32> -> vector<16xf32>
        %get3A_281 = arith.index_cast %scan3A_126 : i32 to index
        %get3A_282 = arith.constant 96 : index
        %get3A_283 = tpu.vector_load %arg9[%get3A_281, %get3A_282] {strides = array<i32>} : memref<80x144xf32, #tpu.memory_space<vmem>>, vector<1x16xf32>,
        %get3A_284 = vector.shape_cast %get3A_283 : vector<1x16xf32> to vector<16xf32>
        %mul3A_285 = arith.mulf %get3A_284, %gather3A_280 : vector<16xf32>
        %swap3A_286 = arith.index_cast %scan3A_126 : i32 to index
        %swap3A_287 = arith.constant 96 : index
        %swap3A_288 = tpu.vector_load %arg11[%swap3A_286, %swap3A_287] {strides = array<i32>} : memref<80x144xf32, #tpu.memory_space<vmem>>, vector<1x16xf32>,
        %swap3A_289 = vector.shape_cast %swap3A_288 : vector<1x16xf32> to vector<16xf32>
        %swap3A_290 = vector.shape_cast %mul3A_285 : vector<16xf32> to vector<1x16xf32>
        tpu.vector_store %arg11[%swap3A_286, %swap3A_287], %swap3A_290 {strides = array<i32>} : memref<80x144xf32, #tpu.memory_space<vmem>>, vector<1x16xf32>,
        %iota3A_291 = tpu.iota {dimensions = array<i32: 0>} : vector<16xi32>
        %and3A_292 = arith.constant 0 : i32
        %and3A_293 = vector.broadcast %and3A_292 : i32 to vector<16xi32>
        %and3A_294 = arith.andi %iota3A_291, %and3A_293 : vector<16xi32>
        %add3A_295 = arith.constant 7 : i32
        %add3A_296 = vector.broadcast %add3A_295 : i32 to vector<16xi32>
        %add3A_297 = arith.addi %and3A_294, %add3A_296 : vector<16xi32>
        %broadcast_in_dim3A_298 = vector.shape_cast %add3A_297 : vector<16xi32> to vector<16x1xi32>
        %gather3A_299 = vector.shape_cast %broadcast_in_dim3A_298 : vector<16x1xi32> to vector<16xi32>
        %gather3A_300 = tpu.dynamic_gather %exp3A[%gather3A_299] in [0] : vector<16xf32>, vector<16xi32> -> vector<16xf32>
        %get3A_301 = arith.index_cast %scan3A_126 : i32 to index
        %get3A_302 = arith.constant 112 : index
        %get3A_303 = tpu.vector_load %arg9[%get3A_301, %get3A_302] {strides = array<i32>} : memref<80x144xf32, #tpu.memory_space<vmem>>, vector<1x16xf32>,
        %get3A_304 = vector.shape_cast %get3A_303 : vector<1x16xf32> to vector<16xf32>
        %mul3A_305 = arith.mulf %get3A_304, %gather3A_300 : vector<16xf32>
        %swap3A_306 = arith.index_cast %scan3A_126 : i32 to index
        %swap3A_307 = arith.constant 112 : index
        %swap3A_308 = tpu.vector_load %arg11[%swap3A_306, %swap3A_307] {strides = array<i32>} : memref<80x144xf32, #tpu.memory_space<vmem>>, vector<1x16xf32>,
        %swap3A_309 = vector.shape_cast %swap3A_308 : vector<1x16xf32> to vector<16xf32>
        %swap3A_310 = vector.shape_cast %mul3A_305 : vector<16xf32> to vector<1x16xf32>
        tpu.vector_store %arg11[%swap3A_306, %swap3A_307], %swap3A_310 {strides = array<i32>} : memref<80x144xf32, #tpu.memory_space<vmem>>, vector<1x16xf32>,
        %scan3A_311 = arith.constant 0 : i32
        scf.yield %scan3A_311 : i32
      }
      %scan3A_124 = arith.constant 80 : i32
      "tpu.region"() ({
        %run_scoped3A = tpu.sem_alloc : memref<!tpu.dma_semaphore, #tpu.memory_space<semaphore_mem>>
        %dma_start3A_126 = arith.constant 0 : i32
        %dma_start3A_127 = arith.constant 0 : i32
        %dma_start3A_128 = tpu.memref_slice %arg13[%dma_start3A_126, %dma_start3A_127] : memref<10240x144xf32, #tpu.memory_space<vmem_shared>> -> memref<10240x144xf32, #tpu.memory_space<vmem_shared>>
        tpu.enqueue_indirect_dma source(%arg11 : memref<80x144xf32, #tpu.memory_space<vmem>>) target(%dma_start3A_128 : memref<10240x144xf32, #tpu.memory_space<vmem_shared>>) offsets(%arg8 : memref<80xi32, #tpu.memory_space<vmem>>) semaphore(%run_scoped3A : memref<!tpu.dma_semaphore, #tpu.memory_space<semaphore_mem>>) {add = true}
        %dma_wait3A_129 = arith.constant 0 : i32
        %dma_wait3A_130 = arith.constant 0 : i32
        %dma_wait3A_131 = tpu.memref_slice %arg13[%dma_wait3A_129, %dma_wait3A_130] : memref<10240x144xf32, #tpu.memory_space<vmem_shared>> -> memref<10240x144xf32, #tpu.memory_space<vmem_shared>>
        tpu.wait_indirect_dma semaphore(%run_scoped3A : memref<!tpu.dma_semaphore, #tpu.memory_space<semaphore_mem>>) src(%arg11 : memref<80x144xf32, #tpu.memory_space<vmem>>) dst(%dma_wait3A_131 : memref<10240x144xf32, #tpu.memory_space<vmem_shared>>)
        tpu.yield
      }) : () -> ()
      %scan3A_125 = arith.constant 0 : i32
      scf.yield %scan3A_125 : i32
    }
    %scan3A_97 = arith.constant 250 : i32
    %barrier3A_98 = arith.constant 0 : index
    tpu.barrier barrier_id(%barrier3A_98)
    %mul3A_99 = arith.constant 640 : i32
    %mul3A_100 = arith.muli %arg1, %mul3A_99 : i32
    %mul3A_101 = arith.constant 640 : i32
    %mul3A_102 = arith.muli %arg1, %mul3A_101 : i32
    "tpu.region"() ({
      %run_scoped3A = tpu.sem_alloc : memref<!tpu.dma_semaphore, #tpu.memory_space<semaphore_mem>>
      %dma_start3A = arith.constant 0 : i32
      %dma_start3A_103 = tpu.memref_slice %arg6[%arg0, %mul3A_102, %dma_start3A] : memref<2x10240x144xf32, #tpu.memory_space<hbm>> -> memref<1x640x144xf32, #tpu.memory_space<hbm>>
      %dma_start3A_104 = tpu.memref_squeeze %dma_start3A_103 : memref<1x640x144xf32, #tpu.memory_space<hbm>> -> memref<640x144xf32, #tpu.memory_space<hbm>>
      %dma_start3A_105 = arith.constant 0 : i32
      %dma_start3A_106 = tpu.memref_slice %arg13[%mul3A_100, %dma_start3A_105] : memref<10240x144xf32, #tpu.memory_space<vmem_shared>> -> memref<640x144xf32, #tpu.memory_space<vmem_shared>>
      tpu.enqueue_dma source(%dma_start3A_106 : memref<640x144xf32, #tpu.memory_space<vmem_shared>>) target(%dma_start3A_104 : memref<640x144xf32, #tpu.memory_space<hbm>>) target_semaphore(%run_scoped3A : memref<!tpu.dma_semaphore, #tpu.memory_space<semaphore_mem>>)
      %dma_wait3A = arith.constant 0 : i32
      %dma_wait3A_107 = tpu.memref_slice %arg6[%arg0, %mul3A_102, %dma_wait3A] : memref<2x10240x144xf32, #tpu.memory_space<hbm>> -> memref<1x640x144xf32, #tpu.memory_space<hbm>>
      %dma_wait3A_108 = tpu.memref_squeeze %dma_wait3A_107 : memref<1x640x144xf32, #tpu.memory_space<hbm>> -> memref<640x144xf32, #tpu.memory_space<hbm>>
      %dma_wait3A_109 = arith.constant 0 : i32
      %dma_wait3A_110 = tpu.memref_slice %arg13[%mul3A_100, %dma_wait3A_109] : memref<10240x144xf32, #tpu.memory_space<vmem_shared>> -> memref<640x144xf32, #tpu.memory_space<vmem_shared>>
      tpu.wait_dma2 semaphore(%run_scoped3A : memref<!tpu.dma_semaphore, #tpu.memory_space<semaphore_mem>>) src(%dma_wait3A_110 : memref<640x144xf32, #tpu.memory_space<vmem_shared>>) dst(%dma_wait3A_108 : memref<640x144xf32, #tpu.memory_space<hbm>>)
      tpu.yield
    }) : () -> ()
    return
  }
}

#map = affine_map<(d0, d1) -> (0, 0)>
#map1 = affine_map<(d0, d1) -> (0)>
#map2 = affine_map<(d0, d1) -> (0, 0, 0)>
module attributes {stable_mosaic.version = 14 : i64} {
  func.func @_edge_pass2_body(%arg0: i32, %arg1: i32, %arg2: memref<10000x32xf32, #tpu.memory_space<hbm>>, %arg3: memref<10000x16xf32, #tpu.memory_space<hbm>>, %arg4: memref<640000xi32, #tpu.memory_space<hbm>>, %arg5: memref<640000xi32, #tpu.memory_space<hbm>>, %arg6: memref<2x10240x32xf32, #tpu.memory_space<hbm>>, %arg7: memref<80xi32, #tpu.memory_space<vmem>>, %arg8: memref<80xi32, #tpu.memory_space<vmem>>, %arg9: memref<80x32xf32, #tpu.memory_space<vmem>>, %arg10: memref<80x16xf32, #tpu.memory_space<vmem>>, %arg11: memref<80x32xf32, #tpu.memory_space<vmem>>, %arg12: memref<32x32xf32, #tpu.memory_space<vmem>>, %arg13: memref<10240x32xf32, #tpu.memory_space<vmem_shared>>, %arg14: memref<!tpu.dma_semaphore, #tpu.memory_space<semaphore_mem>>, %arg15: memref<!tpu.dma_semaphore, #tpu.memory_space<semaphore_mem>>) attributes {dimension_semantics = [#tpu.dimension_semantics<core_parallel>, #tpu.dimension_semantics<subcore_parallel>], iteration_bounds = array<i64: 2, 16>, scalar_prefetch = 0 : i64, scratch_operands = 9 : i64, tpu.core_type = #tpu.core_type<sc_vector_subcore>, window_params = [{transform_indices = #map}, {transform_indices = #map}, {transform_indices = #map1}, {transform_indices = #map1}, {transform_indices = #map2}]} {
    %mul3A = arith.constant 16 : i32
    %mul3A_0 = arith.muli %arg0, %mul3A : i32
    %add3A = arith.addi %mul3A_0, %arg1 : i32
    %scan3A = arith.constant 0 : i32
    %scan3A_1 = arith.constant 0 : i32
    %scan3A_2 = arith.constant 32 : i32
    %scan3A_3 = arith.addi %scan3A_1, %scan3A_2 : i32
    %scan3A_4 = arith.constant 1 : i32
    %scan3A_5 = scf.for %scan3A_103 = %scan3A_1 to %scan3A_3 step %scan3A_4 iter_args(%scan3A_104 = %scan3A) -> (i32)  : i32 {
      %scan3A_105 = arith.constant 0 : i32
      %scan3A_106 = arith.constant 0 : i32
      %scan3A_107 = arith.constant 2 : i32
      %scan3A_108 = arith.addi %scan3A_106, %scan3A_107 : i32
      %scan3A_109 = arith.constant 1 : i32
      %scan3A_110 = scf.for %scan3A_113 = %scan3A_106 to %scan3A_108 step %scan3A_109 iter_args(%scan3A_114 = %scan3A_105) -> (i32)  : i32 {
        %broadcast_in_dim3A = arith.constant 0.000000e+00 : f32
        %broadcast_in_dim3A_115 = vector.broadcast %broadcast_in_dim3A : f32 to vector<16xf32>
        %mul3A_116 = arith.constant 16 : i32
        %mul3A_117 = arith.muli %scan3A_113, %mul3A_116 : i32
        %swap3A = arith.index_cast %scan3A_103 : i32 to index
        %swap3A_118 = arith.index_cast %mul3A_117 : i32 to index
        %swap3A_119 = tpu.vector_load %arg12[%swap3A, %swap3A_118] {strides = array<i32>} : memref<32x32xf32, #tpu.memory_space<vmem>>, vector<1x16xf32>,
        %swap3A_120 = vector.shape_cast %swap3A_119 : vector<1x16xf32> to vector<16xf32>
        %swap3A_121 = vector.shape_cast %broadcast_in_dim3A_115 : vector<16xf32> to vector<1x16xf32>
        tpu.vector_store %arg12[%swap3A, %swap3A_118], %swap3A_121 {strides = array<i32>} : memref<32x32xf32, #tpu.memory_space<vmem>>, vector<1x16xf32>,
        %scan3A_122 = arith.constant 0 : i32
        scf.yield %scan3A_122 : i32
      }
      %scan3A_111 = arith.constant 2 : i32
      %scan3A_112 = arith.constant 0 : i32
      scf.yield %scan3A_112 : i32
    }
    %scan3A_6 = arith.constant 32 : i32
    %mul3A_7 = arith.constant 640 : i32
    %mul3A_8 = arith.muli %arg1, %mul3A_7 : i32
    %add3A_9 = arith.constant 0 : i32
    %add3A_10 = arith.addi %mul3A_8, %add3A_9 : i32
    "tpu.region"() ({
      %run_scoped3A = tpu.sem_alloc : memref<!tpu.dma_semaphore, #tpu.memory_space<semaphore_mem>>
      %dma_start3A = arith.constant 0 : i32
      %dma_start3A_103 = tpu.memref_slice %arg13[%add3A_10, %dma_start3A] : memref<10240x32xf32, #tpu.memory_space<vmem_shared>> -> memref<32x32xf32, #tpu.memory_space<vmem_shared>>
      %dma_start3A_104 = arith.constant 0 : i32
      %dma_start3A_105 = tpu.memref_slice %arg13[%add3A_10, %dma_start3A_104] : memref<10240x32xf32, #tpu.memory_space<vmem_shared>> -> memref<32x32xf32, #tpu.memory_space<vmem_shared>>
      tpu.enqueue_dma source(%arg12 : memref<32x32xf32, #tpu.memory_space<vmem>>) target(%dma_start3A_105 : memref<32x32xf32, #tpu.memory_space<vmem_shared>>) target_semaphore(%run_scoped3A : memref<!tpu.dma_semaphore, #tpu.memory_space<semaphore_mem>>)
      %dma_wait3A = arith.constant 0 : i32
      %dma_wait3A_106 = tpu.memref_slice %arg13[%add3A_10, %dma_wait3A] : memref<10240x32xf32, #tpu.memory_space<vmem_shared>> -> memref<32x32xf32, #tpu.memory_space<vmem_shared>>
      %dma_wait3A_107 = arith.constant 0 : i32
      %dma_wait3A_108 = tpu.memref_slice %arg13[%add3A_10, %dma_wait3A_107] : memref<10240x32xf32, #tpu.memory_space<vmem_shared>> -> memref<32x32xf32, #tpu.memory_space<vmem_shared>>
      tpu.wait_dma2 semaphore(%run_scoped3A : memref<!tpu.dma_semaphore, #tpu.memory_space<semaphore_mem>>) src(%arg12 : memref<32x32xf32, #tpu.memory_space<vmem>>) dst(%dma_wait3A_108 : memref<32x32xf32, #tpu.memory_space<vmem_shared>>)
      tpu.yield
    }) : () -> ()
    %mul3A_11 = arith.constant 640 : i32
    %mul3A_12 = arith.muli %arg1, %mul3A_11 : i32
    %add3A_13 = arith.constant 32 : i32
    %add3A_14 = arith.addi %mul3A_12, %add3A_13 : i32
    "tpu.region"() ({
      %run_scoped3A = tpu.sem_alloc : memref<!tpu.dma_semaphore, #tpu.memory_space<semaphore_mem>>
      %dma_start3A = arith.constant 0 : i32
      %dma_start3A_103 = tpu.memref_slice %arg13[%add3A_14, %dma_start3A] : memref<10240x32xf32, #tpu.memory_space<vmem_shared>> -> memref<32x32xf32, #tpu.memory_space<vmem_shared>>
      %dma_start3A_104 = arith.constant 0 : i32
      %dma_start3A_105 = tpu.memref_slice %arg13[%add3A_14, %dma_start3A_104] : memref<10240x32xf32, #tpu.memory_space<vmem_shared>> -> memref<32x32xf32, #tpu.memory_space<vmem_shared>>
      tpu.enqueue_dma source(%arg12 : memref<32x32xf32, #tpu.memory_space<vmem>>) target(%dma_start3A_105 : memref<32x32xf32, #tpu.memory_space<vmem_shared>>) target_semaphore(%run_scoped3A : memref<!tpu.dma_semaphore, #tpu.memory_space<semaphore_mem>>)
      %dma_wait3A = arith.constant 0 : i32
      %dma_wait3A_106 = tpu.memref_slice %arg13[%add3A_14, %dma_wait3A] : memref<10240x32xf32, #tpu.memory_space<vmem_shared>> -> memref<32x32xf32, #tpu.memory_space<vmem_shared>>
      %dma_wait3A_107 = arith.constant 0 : i32
      %dma_wait3A_108 = tpu.memref_slice %arg13[%add3A_14, %dma_wait3A_107] : memref<10240x32xf32, #tpu.memory_space<vmem_shared>> -> memref<32x32xf32, #tpu.memory_space<vmem_shared>>
      tpu.wait_dma2 semaphore(%run_scoped3A : memref<!tpu.dma_semaphore, #tpu.memory_space<semaphore_mem>>) src(%arg12 : memref<32x32xf32, #tpu.memory_space<vmem>>) dst(%dma_wait3A_108 : memref<32x32xf32, #tpu.memory_space<vmem_shared>>)
      tpu.yield
    }) : () -> ()
    %mul3A_15 = arith.constant 640 : i32
    %mul3A_16 = arith.muli %arg1, %mul3A_15 : i32
    %add3A_17 = arith.constant 64 : i32
    %add3A_18 = arith.addi %mul3A_16, %add3A_17 : i32
    "tpu.region"() ({
      %run_scoped3A = tpu.sem_alloc : memref<!tpu.dma_semaphore, #tpu.memory_space<semaphore_mem>>
      %dma_start3A = arith.constant 0 : i32
      %dma_start3A_103 = tpu.memref_slice %arg13[%add3A_18, %dma_start3A] : memref<10240x32xf32, #tpu.memory_space<vmem_shared>> -> memref<32x32xf32, #tpu.memory_space<vmem_shared>>
      %dma_start3A_104 = arith.constant 0 : i32
      %dma_start3A_105 = tpu.memref_slice %arg13[%add3A_18, %dma_start3A_104] : memref<10240x32xf32, #tpu.memory_space<vmem_shared>> -> memref<32x32xf32, #tpu.memory_space<vmem_shared>>
      tpu.enqueue_dma source(%arg12 : memref<32x32xf32, #tpu.memory_space<vmem>>) target(%dma_start3A_105 : memref<32x32xf32, #tpu.memory_space<vmem_shared>>) target_semaphore(%run_scoped3A : memref<!tpu.dma_semaphore, #tpu.memory_space<semaphore_mem>>)
      %dma_wait3A = arith.constant 0 : i32
      %dma_wait3A_106 = tpu.memref_slice %arg13[%add3A_18, %dma_wait3A] : memref<10240x32xf32, #tpu.memory_space<vmem_shared>> -> memref<32x32xf32, #tpu.memory_space<vmem_shared>>
      %dma_wait3A_107 = arith.constant 0 : i32
      %dma_wait3A_108 = tpu.memref_slice %arg13[%add3A_18, %dma_wait3A_107] : memref<10240x32xf32, #tpu.memory_space<vmem_shared>> -> memref<32x32xf32, #tpu.memory_space<vmem_shared>>
      tpu.wait_dma2 semaphore(%run_scoped3A : memref<!tpu.dma_semaphore, #tpu.memory_space<semaphore_mem>>) src(%arg12 : memref<32x32xf32, #tpu.memory_space<vmem>>) dst(%dma_wait3A_108 : memref<32x32xf32, #tpu.memory_space<vmem_shared>>)
      tpu.yield
    }) : () -> ()
    %mul3A_19 = arith.constant 640 : i32
    %mul3A_20 = arith.muli %arg1, %mul3A_19 : i32
    %add3A_21 = arith.constant 96 : i32
    %add3A_22 = arith.addi %mul3A_20, %add3A_21 : i32
    "tpu.region"() ({
      %run_scoped3A = tpu.sem_alloc : memref<!tpu.dma_semaphore, #tpu.memory_space<semaphore_mem>>
      %dma_start3A = arith.constant 0 : i32
      %dma_start3A_103 = tpu.memref_slice %arg13[%add3A_22, %dma_start3A] : memref<10240x32xf32, #tpu.memory_space<vmem_shared>> -> memref<32x32xf32, #tpu.memory_space<vmem_shared>>
      %dma_start3A_104 = arith.constant 0 : i32
      %dma_start3A_105 = tpu.memref_slice %arg13[%add3A_22, %dma_start3A_104] : memref<10240x32xf32, #tpu.memory_space<vmem_shared>> -> memref<32x32xf32, #tpu.memory_space<vmem_shared>>
      tpu.enqueue_dma source(%arg12 : memref<32x32xf32, #tpu.memory_space<vmem>>) target(%dma_start3A_105 : memref<32x32xf32, #tpu.memory_space<vmem_shared>>) target_semaphore(%run_scoped3A : memref<!tpu.dma_semaphore, #tpu.memory_space<semaphore_mem>>)
      %dma_wait3A = arith.constant 0 : i32
      %dma_wait3A_106 = tpu.memref_slice %arg13[%add3A_22, %dma_wait3A] : memref<10240x32xf32, #tpu.memory_space<vmem_shared>> -> memref<32x32xf32, #tpu.memory_space<vmem_shared>>
      %dma_wait3A_107 = arith.constant 0 : i32
      %dma_wait3A_108 = tpu.memref_slice %arg13[%add3A_22, %dma_wait3A_107] : memref<10240x32xf32, #tpu.memory_space<vmem_shared>> -> memref<32x32xf32, #tpu.memory_space<vmem_shared>>
      tpu.wait_dma2 semaphore(%run_scoped3A : memref<!tpu.dma_semaphore, #tpu.memory_space<semaphore_mem>>) src(%arg12 : memref<32x32xf32, #tpu.memory_space<vmem>>) dst(%dma_wait3A_108 : memref<32x32xf32, #tpu.memory_space<vmem_shared>>)
      tpu.yield
    }) : () -> ()
    %mul3A_23 = arith.constant 640 : i32
    %mul3A_24 = arith.muli %arg1, %mul3A_23 : i32
    %add3A_25 = arith.constant 128 : i32
    %add3A_26 = arith.addi %mul3A_24, %add3A_25 : i32
    "tpu.region"() ({
      %run_scoped3A = tpu.sem_alloc : memref<!tpu.dma_semaphore, #tpu.memory_space<semaphore_mem>>
      %dma_start3A = arith.constant 0 : i32
      %dma_start3A_103 = tpu.memref_slice %arg13[%add3A_26, %dma_start3A] : memref<10240x32xf32, #tpu.memory_space<vmem_shared>> -> memref<32x32xf32, #tpu.memory_space<vmem_shared>>
      %dma_start3A_104 = arith.constant 0 : i32
      %dma_start3A_105 = tpu.memref_slice %arg13[%add3A_26, %dma_start3A_104] : memref<10240x32xf32, #tpu.memory_space<vmem_shared>> -> memref<32x32xf32, #tpu.memory_space<vmem_shared>>
      tpu.enqueue_dma source(%arg12 : memref<32x32xf32, #tpu.memory_space<vmem>>) target(%dma_start3A_105 : memref<32x32xf32, #tpu.memory_space<vmem_shared>>) target_semaphore(%run_scoped3A : memref<!tpu.dma_semaphore, #tpu.memory_space<semaphore_mem>>)
      %dma_wait3A = arith.constant 0 : i32
      %dma_wait3A_106 = tpu.memref_slice %arg13[%add3A_26, %dma_wait3A] : memref<10240x32xf32, #tpu.memory_space<vmem_shared>> -> memref<32x32xf32, #tpu.memory_space<vmem_shared>>
      %dma_wait3A_107 = arith.constant 0 : i32
      %dma_wait3A_108 = tpu.memref_slice %arg13[%add3A_26, %dma_wait3A_107] : memref<10240x32xf32, #tpu.memory_space<vmem_shared>> -> memref<32x32xf32, #tpu.memory_space<vmem_shared>>
      tpu.wait_dma2 semaphore(%run_scoped3A : memref<!tpu.dma_semaphore, #tpu.memory_space<semaphore_mem>>) src(%arg12 : memref<32x32xf32, #tpu.memory_space<vmem>>) dst(%dma_wait3A_108 : memref<32x32xf32, #tpu.memory_space<vmem_shared>>)
      tpu.yield
    }) : () -> ()
    %mul3A_27 = arith.constant 640 : i32
    %mul3A_28 = arith.muli %arg1, %mul3A_27 : i32
    %add3A_29 = arith.constant 160 : i32
    %add3A_30 = arith.addi %mul3A_28, %add3A_29 : i32
    "tpu.region"() ({
      %run_scoped3A = tpu.sem_alloc : memref<!tpu.dma_semaphore, #tpu.memory_space<semaphore_mem>>
      %dma_start3A = arith.constant 0 : i32
      %dma_start3A_103 = tpu.memref_slice %arg13[%add3A_30, %dma_start3A] : memref<10240x32xf32, #tpu.memory_space<vmem_shared>> -> memref<32x32xf32, #tpu.memory_space<vmem_shared>>
      %dma_start3A_104 = arith.constant 0 : i32
      %dma_start3A_105 = tpu.memref_slice %arg13[%add3A_30, %dma_start3A_104] : memref<10240x32xf32, #tpu.memory_space<vmem_shared>> -> memref<32x32xf32, #tpu.memory_space<vmem_shared>>
      tpu.enqueue_dma source(%arg12 : memref<32x32xf32, #tpu.memory_space<vmem>>) target(%dma_start3A_105 : memref<32x32xf32, #tpu.memory_space<vmem_shared>>) target_semaphore(%run_scoped3A : memref<!tpu.dma_semaphore, #tpu.memory_space<semaphore_mem>>)
      %dma_wait3A = arith.constant 0 : i32
      %dma_wait3A_106 = tpu.memref_slice %arg13[%add3A_30, %dma_wait3A] : memref<10240x32xf32, #tpu.memory_space<vmem_shared>> -> memref<32x32xf32, #tpu.memory_space<vmem_shared>>
      %dma_wait3A_107 = arith.constant 0 : i32
      %dma_wait3A_108 = tpu.memref_slice %arg13[%add3A_30, %dma_wait3A_107] : memref<10240x32xf32, #tpu.memory_space<vmem_shared>> -> memref<32x32xf32, #tpu.memory_space<vmem_shared>>
      tpu.wait_dma2 semaphore(%run_scoped3A : memref<!tpu.dma_semaphore, #tpu.memory_space<semaphore_mem>>) src(%arg12 : memref<32x32xf32, #tpu.memory_space<vmem>>) dst(%dma_wait3A_108 : memref<32x32xf32, #tpu.memory_space<vmem_shared>>)
      tpu.yield
    }) : () -> ()
    %mul3A_31 = arith.constant 640 : i32
    %mul3A_32 = arith.muli %arg1, %mul3A_31 : i32
    %add3A_33 = arith.constant 192 : i32
    %add3A_34 = arith.addi %mul3A_32, %add3A_33 : i32
    "tpu.region"() ({
      %run_scoped3A = tpu.sem_alloc : memref<!tpu.dma_semaphore, #tpu.memory_space<semaphore_mem>>
      %dma_start3A = arith.constant 0 : i32
      %dma_start3A_103 = tpu.memref_slice %arg13[%add3A_34, %dma_start3A] : memref<10240x32xf32, #tpu.memory_space<vmem_shared>> -> memref<32x32xf32, #tpu.memory_space<vmem_shared>>
      %dma_start3A_104 = arith.constant 0 : i32
      %dma_start3A_105 = tpu.memref_slice %arg13[%add3A_34, %dma_start3A_104] : memref<10240x32xf32, #tpu.memory_space<vmem_shared>> -> memref<32x32xf32, #tpu.memory_space<vmem_shared>>
      tpu.enqueue_dma source(%arg12 : memref<32x32xf32, #tpu.memory_space<vmem>>) target(%dma_start3A_105 : memref<32x32xf32, #tpu.memory_space<vmem_shared>>) target_semaphore(%run_scoped3A : memref<!tpu.dma_semaphore, #tpu.memory_space<semaphore_mem>>)
      %dma_wait3A = arith.constant 0 : i32
      %dma_wait3A_106 = tpu.memref_slice %arg13[%add3A_34, %dma_wait3A] : memref<10240x32xf32, #tpu.memory_space<vmem_shared>> -> memref<32x32xf32, #tpu.memory_space<vmem_shared>>
      %dma_wait3A_107 = arith.constant 0 : i32
      %dma_wait3A_108 = tpu.memref_slice %arg13[%add3A_34, %dma_wait3A_107] : memref<10240x32xf32, #tpu.memory_space<vmem_shared>> -> memref<32x32xf32, #tpu.memory_space<vmem_shared>>
      tpu.wait_dma2 semaphore(%run_scoped3A : memref<!tpu.dma_semaphore, #tpu.memory_space<semaphore_mem>>) src(%arg12 : memref<32x32xf32, #tpu.memory_space<vmem>>) dst(%dma_wait3A_108 : memref<32x32xf32, #tpu.memory_space<vmem_shared>>)
      tpu.yield
    }) : () -> ()
    %mul3A_35 = arith.constant 640 : i32
    %mul3A_36 = arith.muli %arg1, %mul3A_35 : i32
    %add3A_37 = arith.constant 224 : i32
    %add3A_38 = arith.addi %mul3A_36, %add3A_37 : i32
    "tpu.region"() ({
      %run_scoped3A = tpu.sem_alloc : memref<!tpu.dma_semaphore, #tpu.memory_space<semaphore_mem>>
      %dma_start3A = arith.constant 0 : i32
      %dma_start3A_103 = tpu.memref_slice %arg13[%add3A_38, %dma_start3A] : memref<10240x32xf32, #tpu.memory_space<vmem_shared>> -> memref<32x32xf32, #tpu.memory_space<vmem_shared>>
      %dma_start3A_104 = arith.constant 0 : i32
      %dma_start3A_105 = tpu.memref_slice %arg13[%add3A_38, %dma_start3A_104] : memref<10240x32xf32, #tpu.memory_space<vmem_shared>> -> memref<32x32xf32, #tpu.memory_space<vmem_shared>>
      tpu.enqueue_dma source(%arg12 : memref<32x32xf32, #tpu.memory_space<vmem>>) target(%dma_start3A_105 : memref<32x32xf32, #tpu.memory_space<vmem_shared>>) target_semaphore(%run_scoped3A : memref<!tpu.dma_semaphore, #tpu.memory_space<semaphore_mem>>)
      %dma_wait3A = arith.constant 0 : i32
      %dma_wait3A_106 = tpu.memref_slice %arg13[%add3A_38, %dma_wait3A] : memref<10240x32xf32, #tpu.memory_space<vmem_shared>> -> memref<32x32xf32, #tpu.memory_space<vmem_shared>>
      %dma_wait3A_107 = arith.constant 0 : i32
      %dma_wait3A_108 = tpu.memref_slice %arg13[%add3A_38, %dma_wait3A_107] : memref<10240x32xf32, #tpu.memory_space<vmem_shared>> -> memref<32x32xf32, #tpu.memory_space<vmem_shared>>
      tpu.wait_dma2 semaphore(%run_scoped3A : memref<!tpu.dma_semaphore, #tpu.memory_space<semaphore_mem>>) src(%arg12 : memref<32x32xf32, #tpu.memory_space<vmem>>) dst(%dma_wait3A_108 : memref<32x32xf32, #tpu.memory_space<vmem_shared>>)
      tpu.yield
    }) : () -> ()
    %mul3A_39 = arith.constant 640 : i32
    %mul3A_40 = arith.muli %arg1, %mul3A_39 : i32
    %add3A_41 = arith.constant 256 : i32
    %add3A_42 = arith.addi %mul3A_40, %add3A_41 : i32
    "tpu.region"() ({
      %run_scoped3A = tpu.sem_alloc : memref<!tpu.dma_semaphore, #tpu.memory_space<semaphore_mem>>
      %dma_start3A = arith.constant 0 : i32
      %dma_start3A_103 = tpu.memref_slice %arg13[%add3A_42, %dma_start3A] : memref<10240x32xf32, #tpu.memory_space<vmem_shared>> -> memref<32x32xf32, #tpu.memory_space<vmem_shared>>
      %dma_start3A_104 = arith.constant 0 : i32
      %dma_start3A_105 = tpu.memref_slice %arg13[%add3A_42, %dma_start3A_104] : memref<10240x32xf32, #tpu.memory_space<vmem_shared>> -> memref<32x32xf32, #tpu.memory_space<vmem_shared>>
      tpu.enqueue_dma source(%arg12 : memref<32x32xf32, #tpu.memory_space<vmem>>) target(%dma_start3A_105 : memref<32x32xf32, #tpu.memory_space<vmem_shared>>) target_semaphore(%run_scoped3A : memref<!tpu.dma_semaphore, #tpu.memory_space<semaphore_mem>>)
      %dma_wait3A = arith.constant 0 : i32
      %dma_wait3A_106 = tpu.memref_slice %arg13[%add3A_42, %dma_wait3A] : memref<10240x32xf32, #tpu.memory_space<vmem_shared>> -> memref<32x32xf32, #tpu.memory_space<vmem_shared>>
      %dma_wait3A_107 = arith.constant 0 : i32
      %dma_wait3A_108 = tpu.memref_slice %arg13[%add3A_42, %dma_wait3A_107] : memref<10240x32xf32, #tpu.memory_space<vmem_shared>> -> memref<32x32xf32, #tpu.memory_space<vmem_shared>>
      tpu.wait_dma2 semaphore(%run_scoped3A : memref<!tpu.dma_semaphore, #tpu.memory_space<semaphore_mem>>) src(%arg12 : memref<32x32xf32, #tpu.memory_space<vmem>>) dst(%dma_wait3A_108 : memref<32x32xf32, #tpu.memory_space<vmem_shared>>)
      tpu.yield
    }) : () -> ()
    %mul3A_43 = arith.constant 640 : i32
    %mul3A_44 = arith.muli %arg1, %mul3A_43 : i32
    %add3A_45 = arith.constant 288 : i32
    %add3A_46 = arith.addi %mul3A_44, %add3A_45 : i32
    "tpu.region"() ({
      %run_scoped3A = tpu.sem_alloc : memref<!tpu.dma_semaphore, #tpu.memory_space<semaphore_mem>>
      %dma_start3A = arith.constant 0 : i32
      %dma_start3A_103 = tpu.memref_slice %arg13[%add3A_46, %dma_start3A] : memref<10240x32xf32, #tpu.memory_space<vmem_shared>> -> memref<32x32xf32, #tpu.memory_space<vmem_shared>>
      %dma_start3A_104 = arith.constant 0 : i32
      %dma_start3A_105 = tpu.memref_slice %arg13[%add3A_46, %dma_start3A_104] : memref<10240x32xf32, #tpu.memory_space<vmem_shared>> -> memref<32x32xf32, #tpu.memory_space<vmem_shared>>
      tpu.enqueue_dma source(%arg12 : memref<32x32xf32, #tpu.memory_space<vmem>>) target(%dma_start3A_105 : memref<32x32xf32, #tpu.memory_space<vmem_shared>>) target_semaphore(%run_scoped3A : memref<!tpu.dma_semaphore, #tpu.memory_space<semaphore_mem>>)
      %dma_wait3A = arith.constant 0 : i32
      %dma_wait3A_106 = tpu.memref_slice %arg13[%add3A_46, %dma_wait3A] : memref<10240x32xf32, #tpu.memory_space<vmem_shared>> -> memref<32x32xf32, #tpu.memory_space<vmem_shared>>
      %dma_wait3A_107 = arith.constant 0 : i32
      %dma_wait3A_108 = tpu.memref_slice %arg13[%add3A_46, %dma_wait3A_107] : memref<10240x32xf32, #tpu.memory_space<vmem_shared>> -> memref<32x32xf32, #tpu.memory_space<vmem_shared>>
      tpu.wait_dma2 semaphore(%run_scoped3A : memref<!tpu.dma_semaphore, #tpu.memory_space<semaphore_mem>>) src(%arg12 : memref<32x32xf32, #tpu.memory_space<vmem>>) dst(%dma_wait3A_108 : memref<32x32xf32, #tpu.memory_space<vmem_shared>>)
      tpu.yield
    }) : () -> ()
    %mul3A_47 = arith.constant 640 : i32
    %mul3A_48 = arith.muli %arg1, %mul3A_47 : i32
    %add3A_49 = arith.constant 320 : i32
    %add3A_50 = arith.addi %mul3A_48, %add3A_49 : i32
    "tpu.region"() ({
      %run_scoped3A = tpu.sem_alloc : memref<!tpu.dma_semaphore, #tpu.memory_space<semaphore_mem>>
      %dma_start3A = arith.constant 0 : i32
      %dma_start3A_103 = tpu.memref_slice %arg13[%add3A_50, %dma_start3A] : memref<10240x32xf32, #tpu.memory_space<vmem_shared>> -> memref<32x32xf32, #tpu.memory_space<vmem_shared>>
      %dma_start3A_104 = arith.constant 0 : i32
      %dma_start3A_105 = tpu.memref_slice %arg13[%add3A_50, %dma_start3A_104] : memref<10240x32xf32, #tpu.memory_space<vmem_shared>> -> memref<32x32xf32, #tpu.memory_space<vmem_shared>>
      tpu.enqueue_dma source(%arg12 : memref<32x32xf32, #tpu.memory_space<vmem>>) target(%dma_start3A_105 : memref<32x32xf32, #tpu.memory_space<vmem_shared>>) target_semaphore(%run_scoped3A : memref<!tpu.dma_semaphore, #tpu.memory_space<semaphore_mem>>)
      %dma_wait3A = arith.constant 0 : i32
      %dma_wait3A_106 = tpu.memref_slice %arg13[%add3A_50, %dma_wait3A] : memref<10240x32xf32, #tpu.memory_space<vmem_shared>> -> memref<32x32xf32, #tpu.memory_space<vmem_shared>>
      %dma_wait3A_107 = arith.constant 0 : i32
      %dma_wait3A_108 = tpu.memref_slice %arg13[%add3A_50, %dma_wait3A_107] : memref<10240x32xf32, #tpu.memory_space<vmem_shared>> -> memref<32x32xf32, #tpu.memory_space<vmem_shared>>
      tpu.wait_dma2 semaphore(%run_scoped3A : memref<!tpu.dma_semaphore, #tpu.memory_space<semaphore_mem>>) src(%arg12 : memref<32x32xf32, #tpu.memory_space<vmem>>) dst(%dma_wait3A_108 : memref<32x32xf32, #tpu.memory_space<vmem_shared>>)
      tpu.yield
    }) : () -> ()
    %mul3A_51 = arith.constant 640 : i32
    %mul3A_52 = arith.muli %arg1, %mul3A_51 : i32
    %add3A_53 = arith.constant 352 : i32
    %add3A_54 = arith.addi %mul3A_52, %add3A_53 : i32
    "tpu.region"() ({
      %run_scoped3A = tpu.sem_alloc : memref<!tpu.dma_semaphore, #tpu.memory_space<semaphore_mem>>
      %dma_start3A = arith.constant 0 : i32
      %dma_start3A_103 = tpu.memref_slice %arg13[%add3A_54, %dma_start3A] : memref<10240x32xf32, #tpu.memory_space<vmem_shared>> -> memref<32x32xf32, #tpu.memory_space<vmem_shared>>
      %dma_start3A_104 = arith.constant 0 : i32
      %dma_start3A_105 = tpu.memref_slice %arg13[%add3A_54, %dma_start3A_104] : memref<10240x32xf32, #tpu.memory_space<vmem_shared>> -> memref<32x32xf32, #tpu.memory_space<vmem_shared>>
      tpu.enqueue_dma source(%arg12 : memref<32x32xf32, #tpu.memory_space<vmem>>) target(%dma_start3A_105 : memref<32x32xf32, #tpu.memory_space<vmem_shared>>) target_semaphore(%run_scoped3A : memref<!tpu.dma_semaphore, #tpu.memory_space<semaphore_mem>>)
      %dma_wait3A = arith.constant 0 : i32
      %dma_wait3A_106 = tpu.memref_slice %arg13[%add3A_54, %dma_wait3A] : memref<10240x32xf32, #tpu.memory_space<vmem_shared>> -> memref<32x32xf32, #tpu.memory_space<vmem_shared>>
      %dma_wait3A_107 = arith.constant 0 : i32
      %dma_wait3A_108 = tpu.memref_slice %arg13[%add3A_54, %dma_wait3A_107] : memref<10240x32xf32, #tpu.memory_space<vmem_shared>> -> memref<32x32xf32, #tpu.memory_space<vmem_shared>>
      tpu.wait_dma2 semaphore(%run_scoped3A : memref<!tpu.dma_semaphore, #tpu.memory_space<semaphore_mem>>) src(%arg12 : memref<32x32xf32, #tpu.memory_space<vmem>>) dst(%dma_wait3A_108 : memref<32x32xf32, #tpu.memory_space<vmem_shared>>)
      tpu.yield
    }) : () -> ()
    %mul3A_55 = arith.constant 640 : i32
    %mul3A_56 = arith.muli %arg1, %mul3A_55 : i32
    %add3A_57 = arith.constant 384 : i32
    %add3A_58 = arith.addi %mul3A_56, %add3A_57 : i32
    "tpu.region"() ({
      %run_scoped3A = tpu.sem_alloc : memref<!tpu.dma_semaphore, #tpu.memory_space<semaphore_mem>>
      %dma_start3A = arith.constant 0 : i32
      %dma_start3A_103 = tpu.memref_slice %arg13[%add3A_58, %dma_start3A] : memref<10240x32xf32, #tpu.memory_space<vmem_shared>> -> memref<32x32xf32, #tpu.memory_space<vmem_shared>>
      %dma_start3A_104 = arith.constant 0 : i32
      %dma_start3A_105 = tpu.memref_slice %arg13[%add3A_58, %dma_start3A_104] : memref<10240x32xf32, #tpu.memory_space<vmem_shared>> -> memref<32x32xf32, #tpu.memory_space<vmem_shared>>
      tpu.enqueue_dma source(%arg12 : memref<32x32xf32, #tpu.memory_space<vmem>>) target(%dma_start3A_105 : memref<32x32xf32, #tpu.memory_space<vmem_shared>>) target_semaphore(%run_scoped3A : memref<!tpu.dma_semaphore, #tpu.memory_space<semaphore_mem>>)
      %dma_wait3A = arith.constant 0 : i32
      %dma_wait3A_106 = tpu.memref_slice %arg13[%add3A_58, %dma_wait3A] : memref<10240x32xf32, #tpu.memory_space<vmem_shared>> -> memref<32x32xf32, #tpu.memory_space<vmem_shared>>
      %dma_wait3A_107 = arith.constant 0 : i32
      %dma_wait3A_108 = tpu.memref_slice %arg13[%add3A_58, %dma_wait3A_107] : memref<10240x32xf32, #tpu.memory_space<vmem_shared>> -> memref<32x32xf32, #tpu.memory_space<vmem_shared>>
      tpu.wait_dma2 semaphore(%run_scoped3A : memref<!tpu.dma_semaphore, #tpu.memory_space<semaphore_mem>>) src(%arg12 : memref<32x32xf32, #tpu.memory_space<vmem>>) dst(%dma_wait3A_108 : memref<32x32xf32, #tpu.memory_space<vmem_shared>>)
      tpu.yield
    }) : () -> ()
    %mul3A_59 = arith.constant 640 : i32
    %mul3A_60 = arith.muli %arg1, %mul3A_59 : i32
    %add3A_61 = arith.constant 416 : i32
    %add3A_62 = arith.addi %mul3A_60, %add3A_61 : i32
    "tpu.region"() ({
      %run_scoped3A = tpu.sem_alloc : memref<!tpu.dma_semaphore, #tpu.memory_space<semaphore_mem>>
      %dma_start3A = arith.constant 0 : i32
      %dma_start3A_103 = tpu.memref_slice %arg13[%add3A_62, %dma_start3A] : memref<10240x32xf32, #tpu.memory_space<vmem_shared>> -> memref<32x32xf32, #tpu.memory_space<vmem_shared>>
      %dma_start3A_104 = arith.constant 0 : i32
      %dma_start3A_105 = tpu.memref_slice %arg13[%add3A_62, %dma_start3A_104] : memref<10240x32xf32, #tpu.memory_space<vmem_shared>> -> memref<32x32xf32, #tpu.memory_space<vmem_shared>>
      tpu.enqueue_dma source(%arg12 : memref<32x32xf32, #tpu.memory_space<vmem>>) target(%dma_start3A_105 : memref<32x32xf32, #tpu.memory_space<vmem_shared>>) target_semaphore(%run_scoped3A : memref<!tpu.dma_semaphore, #tpu.memory_space<semaphore_mem>>)
      %dma_wait3A = arith.constant 0 : i32
      %dma_wait3A_106 = tpu.memref_slice %arg13[%add3A_62, %dma_wait3A] : memref<10240x32xf32, #tpu.memory_space<vmem_shared>> -> memref<32x32xf32, #tpu.memory_space<vmem_shared>>
      %dma_wait3A_107 = arith.constant 0 : i32
      %dma_wait3A_108 = tpu.memref_slice %arg13[%add3A_62, %dma_wait3A_107] : memref<10240x32xf32, #tpu.memory_space<vmem_shared>> -> memref<32x32xf32, #tpu.memory_space<vmem_shared>>
      tpu.wait_dma2 semaphore(%run_scoped3A : memref<!tpu.dma_semaphore, #tpu.memory_space<semaphore_mem>>) src(%arg12 : memref<32x32xf32, #tpu.memory_space<vmem>>) dst(%dma_wait3A_108 : memref<32x32xf32, #tpu.memory_space<vmem_shared>>)
      tpu.yield
    }) : () -> ()
    %mul3A_63 = arith.constant 640 : i32
    %mul3A_64 = arith.muli %arg1, %mul3A_63 : i32
    %add3A_65 = arith.constant 448 : i32
    %add3A_66 = arith.addi %mul3A_64, %add3A_65 : i32
    "tpu.region"() ({
      %run_scoped3A = tpu.sem_alloc : memref<!tpu.dma_semaphore, #tpu.memory_space<semaphore_mem>>
      %dma_start3A = arith.constant 0 : i32
      %dma_start3A_103 = tpu.memref_slice %arg13[%add3A_66, %dma_start3A] : memref<10240x32xf32, #tpu.memory_space<vmem_shared>> -> memref<32x32xf32, #tpu.memory_space<vmem_shared>>
      %dma_start3A_104 = arith.constant 0 : i32
      %dma_start3A_105 = tpu.memref_slice %arg13[%add3A_66, %dma_start3A_104] : memref<10240x32xf32, #tpu.memory_space<vmem_shared>> -> memref<32x32xf32, #tpu.memory_space<vmem_shared>>
      tpu.enqueue_dma source(%arg12 : memref<32x32xf32, #tpu.memory_space<vmem>>) target(%dma_start3A_105 : memref<32x32xf32, #tpu.memory_space<vmem_shared>>) target_semaphore(%run_scoped3A : memref<!tpu.dma_semaphore, #tpu.memory_space<semaphore_mem>>)
      %dma_wait3A = arith.constant 0 : i32
      %dma_wait3A_106 = tpu.memref_slice %arg13[%add3A_66, %dma_wait3A] : memref<10240x32xf32, #tpu.memory_space<vmem_shared>> -> memref<32x32xf32, #tpu.memory_space<vmem_shared>>
      %dma_wait3A_107 = arith.constant 0 : i32
      %dma_wait3A_108 = tpu.memref_slice %arg13[%add3A_66, %dma_wait3A_107] : memref<10240x32xf32, #tpu.memory_space<vmem_shared>> -> memref<32x32xf32, #tpu.memory_space<vmem_shared>>
      tpu.wait_dma2 semaphore(%run_scoped3A : memref<!tpu.dma_semaphore, #tpu.memory_space<semaphore_mem>>) src(%arg12 : memref<32x32xf32, #tpu.memory_space<vmem>>) dst(%dma_wait3A_108 : memref<32x32xf32, #tpu.memory_space<vmem_shared>>)
      tpu.yield
    }) : () -> ()
    %mul3A_67 = arith.constant 640 : i32
    %mul3A_68 = arith.muli %arg1, %mul3A_67 : i32
    %add3A_69 = arith.constant 480 : i32
    %add3A_70 = arith.addi %mul3A_68, %add3A_69 : i32
    "tpu.region"() ({
      %run_scoped3A = tpu.sem_alloc : memref<!tpu.dma_semaphore, #tpu.memory_space<semaphore_mem>>
      %dma_start3A = arith.constant 0 : i32
      %dma_start3A_103 = tpu.memref_slice %arg13[%add3A_70, %dma_start3A] : memref<10240x32xf32, #tpu.memory_space<vmem_shared>> -> memref<32x32xf32, #tpu.memory_space<vmem_shared>>
      %dma_start3A_104 = arith.constant 0 : i32
      %dma_start3A_105 = tpu.memref_slice %arg13[%add3A_70, %dma_start3A_104] : memref<10240x32xf32, #tpu.memory_space<vmem_shared>> -> memref<32x32xf32, #tpu.memory_space<vmem_shared>>
      tpu.enqueue_dma source(%arg12 : memref<32x32xf32, #tpu.memory_space<vmem>>) target(%dma_start3A_105 : memref<32x32xf32, #tpu.memory_space<vmem_shared>>) target_semaphore(%run_scoped3A : memref<!tpu.dma_semaphore, #tpu.memory_space<semaphore_mem>>)
      %dma_wait3A = arith.constant 0 : i32
      %dma_wait3A_106 = tpu.memref_slice %arg13[%add3A_70, %dma_wait3A] : memref<10240x32xf32, #tpu.memory_space<vmem_shared>> -> memref<32x32xf32, #tpu.memory_space<vmem_shared>>
      %dma_wait3A_107 = arith.constant 0 : i32
      %dma_wait3A_108 = tpu.memref_slice %arg13[%add3A_70, %dma_wait3A_107] : memref<10240x32xf32, #tpu.memory_space<vmem_shared>> -> memref<32x32xf32, #tpu.memory_space<vmem_shared>>
      tpu.wait_dma2 semaphore(%run_scoped3A : memref<!tpu.dma_semaphore, #tpu.memory_space<semaphore_mem>>) src(%arg12 : memref<32x32xf32, #tpu.memory_space<vmem>>) dst(%dma_wait3A_108 : memref<32x32xf32, #tpu.memory_space<vmem_shared>>)
      tpu.yield
    }) : () -> ()
    %mul3A_71 = arith.constant 640 : i32
    %mul3A_72 = arith.muli %arg1, %mul3A_71 : i32
    %add3A_73 = arith.constant 512 : i32
    %add3A_74 = arith.addi %mul3A_72, %add3A_73 : i32
    "tpu.region"() ({
      %run_scoped3A = tpu.sem_alloc : memref<!tpu.dma_semaphore, #tpu.memory_space<semaphore_mem>>
      %dma_start3A = arith.constant 0 : i32
      %dma_start3A_103 = tpu.memref_slice %arg13[%add3A_74, %dma_start3A] : memref<10240x32xf32, #tpu.memory_space<vmem_shared>> -> memref<32x32xf32, #tpu.memory_space<vmem_shared>>
      %dma_start3A_104 = arith.constant 0 : i32
      %dma_start3A_105 = tpu.memref_slice %arg13[%add3A_74, %dma_start3A_104] : memref<10240x32xf32, #tpu.memory_space<vmem_shared>> -> memref<32x32xf32, #tpu.memory_space<vmem_shared>>
      tpu.enqueue_dma source(%arg12 : memref<32x32xf32, #tpu.memory_space<vmem>>) target(%dma_start3A_105 : memref<32x32xf32, #tpu.memory_space<vmem_shared>>) target_semaphore(%run_scoped3A : memref<!tpu.dma_semaphore, #tpu.memory_space<semaphore_mem>>)
      %dma_wait3A = arith.constant 0 : i32
      %dma_wait3A_106 = tpu.memref_slice %arg13[%add3A_74, %dma_wait3A] : memref<10240x32xf32, #tpu.memory_space<vmem_shared>> -> memref<32x32xf32, #tpu.memory_space<vmem_shared>>
      %dma_wait3A_107 = arith.constant 0 : i32
      %dma_wait3A_108 = tpu.memref_slice %arg13[%add3A_74, %dma_wait3A_107] : memref<10240x32xf32, #tpu.memory_space<vmem_shared>> -> memref<32x32xf32, #tpu.memory_space<vmem_shared>>
      tpu.wait_dma2 semaphore(%run_scoped3A : memref<!tpu.dma_semaphore, #tpu.memory_space<semaphore_mem>>) src(%arg12 : memref<32x32xf32, #tpu.memory_space<vmem>>) dst(%dma_wait3A_108 : memref<32x32xf32, #tpu.memory_space<vmem_shared>>)
      tpu.yield
    }) : () -> ()
    %mul3A_75 = arith.constant 640 : i32
    %mul3A_76 = arith.muli %arg1, %mul3A_75 : i32
    %add3A_77 = arith.constant 544 : i32
    %add3A_78 = arith.addi %mul3A_76, %add3A_77 : i32
    "tpu.region"() ({
      %run_scoped3A = tpu.sem_alloc : memref<!tpu.dma_semaphore, #tpu.memory_space<semaphore_mem>>
      %dma_start3A = arith.constant 0 : i32
      %dma_start3A_103 = tpu.memref_slice %arg13[%add3A_78, %dma_start3A] : memref<10240x32xf32, #tpu.memory_space<vmem_shared>> -> memref<32x32xf32, #tpu.memory_space<vmem_shared>>
      %dma_start3A_104 = arith.constant 0 : i32
      %dma_start3A_105 = tpu.memref_slice %arg13[%add3A_78, %dma_start3A_104] : memref<10240x32xf32, #tpu.memory_space<vmem_shared>> -> memref<32x32xf32, #tpu.memory_space<vmem_shared>>
      tpu.enqueue_dma source(%arg12 : memref<32x32xf32, #tpu.memory_space<vmem>>) target(%dma_start3A_105 : memref<32x32xf32, #tpu.memory_space<vmem_shared>>) target_semaphore(%run_scoped3A : memref<!tpu.dma_semaphore, #tpu.memory_space<semaphore_mem>>)
      %dma_wait3A = arith.constant 0 : i32
      %dma_wait3A_106 = tpu.memref_slice %arg13[%add3A_78, %dma_wait3A] : memref<10240x32xf32, #tpu.memory_space<vmem_shared>> -> memref<32x32xf32, #tpu.memory_space<vmem_shared>>
      %dma_wait3A_107 = arith.constant 0 : i32
      %dma_wait3A_108 = tpu.memref_slice %arg13[%add3A_78, %dma_wait3A_107] : memref<10240x32xf32, #tpu.memory_space<vmem_shared>> -> memref<32x32xf32, #tpu.memory_space<vmem_shared>>
      tpu.wait_dma2 semaphore(%run_scoped3A : memref<!tpu.dma_semaphore, #tpu.memory_space<semaphore_mem>>) src(%arg12 : memref<32x32xf32, #tpu.memory_space<vmem>>) dst(%dma_wait3A_108 : memref<32x32xf32, #tpu.memory_space<vmem_shared>>)
      tpu.yield
    }) : () -> ()
    %mul3A_79 = arith.constant 640 : i32
    %mul3A_80 = arith.muli %arg1, %mul3A_79 : i32
    %add3A_81 = arith.constant 576 : i32
    %add3A_82 = arith.addi %mul3A_80, %add3A_81 : i32
    "tpu.region"() ({
      %run_scoped3A = tpu.sem_alloc : memref<!tpu.dma_semaphore, #tpu.memory_space<semaphore_mem>>
      %dma_start3A = arith.constant 0 : i32
      %dma_start3A_103 = tpu.memref_slice %arg13[%add3A_82, %dma_start3A] : memref<10240x32xf32, #tpu.memory_space<vmem_shared>> -> memref<32x32xf32, #tpu.memory_space<vmem_shared>>
      %dma_start3A_104 = arith.constant 0 : i32
      %dma_start3A_105 = tpu.memref_slice %arg13[%add3A_82, %dma_start3A_104] : memref<10240x32xf32, #tpu.memory_space<vmem_shared>> -> memref<32x32xf32, #tpu.memory_space<vmem_shared>>
      tpu.enqueue_dma source(%arg12 : memref<32x32xf32, #tpu.memory_space<vmem>>) target(%dma_start3A_105 : memref<32x32xf32, #tpu.memory_space<vmem_shared>>) target_semaphore(%run_scoped3A : memref<!tpu.dma_semaphore, #tpu.memory_space<semaphore_mem>>)
      %dma_wait3A = arith.constant 0 : i32
      %dma_wait3A_106 = tpu.memref_slice %arg13[%add3A_82, %dma_wait3A] : memref<10240x32xf32, #tpu.memory_space<vmem_shared>> -> memref<32x32xf32, #tpu.memory_space<vmem_shared>>
      %dma_wait3A_107 = arith.constant 0 : i32
      %dma_wait3A_108 = tpu.memref_slice %arg13[%add3A_82, %dma_wait3A_107] : memref<10240x32xf32, #tpu.memory_space<vmem_shared>> -> memref<32x32xf32, #tpu.memory_space<vmem_shared>>
      tpu.wait_dma2 semaphore(%run_scoped3A : memref<!tpu.dma_semaphore, #tpu.memory_space<semaphore_mem>>) src(%arg12 : memref<32x32xf32, #tpu.memory_space<vmem>>) dst(%dma_wait3A_108 : memref<32x32xf32, #tpu.memory_space<vmem_shared>>)
      tpu.yield
    }) : () -> ()
    %mul3A_83 = arith.constant 640 : i32
    %mul3A_84 = arith.muli %arg1, %mul3A_83 : i32
    %add3A_85 = arith.constant 608 : i32
    %add3A_86 = arith.addi %mul3A_84, %add3A_85 : i32
    "tpu.region"() ({
      %run_scoped3A = tpu.sem_alloc : memref<!tpu.dma_semaphore, #tpu.memory_space<semaphore_mem>>
      %dma_start3A = arith.constant 0 : i32
      %dma_start3A_103 = tpu.memref_slice %arg13[%add3A_86, %dma_start3A] : memref<10240x32xf32, #tpu.memory_space<vmem_shared>> -> memref<32x32xf32, #tpu.memory_space<vmem_shared>>
      %dma_start3A_104 = arith.constant 0 : i32
      %dma_start3A_105 = tpu.memref_slice %arg13[%add3A_86, %dma_start3A_104] : memref<10240x32xf32, #tpu.memory_space<vmem_shared>> -> memref<32x32xf32, #tpu.memory_space<vmem_shared>>
      tpu.enqueue_dma source(%arg12 : memref<32x32xf32, #tpu.memory_space<vmem>>) target(%dma_start3A_105 : memref<32x32xf32, #tpu.memory_space<vmem_shared>>) target_semaphore(%run_scoped3A : memref<!tpu.dma_semaphore, #tpu.memory_space<semaphore_mem>>)
      %dma_wait3A = arith.constant 0 : i32
      %dma_wait3A_106 = tpu.memref_slice %arg13[%add3A_86, %dma_wait3A] : memref<10240x32xf32, #tpu.memory_space<vmem_shared>> -> memref<32x32xf32, #tpu.memory_space<vmem_shared>>
      %dma_wait3A_107 = arith.constant 0 : i32
      %dma_wait3A_108 = tpu.memref_slice %arg13[%add3A_86, %dma_wait3A_107] : memref<10240x32xf32, #tpu.memory_space<vmem_shared>> -> memref<32x32xf32, #tpu.memory_space<vmem_shared>>
      tpu.wait_dma2 semaphore(%run_scoped3A : memref<!tpu.dma_semaphore, #tpu.memory_space<semaphore_mem>>) src(%arg12 : memref<32x32xf32, #tpu.memory_space<vmem>>) dst(%dma_wait3A_108 : memref<32x32xf32, #tpu.memory_space<vmem_shared>>)
      tpu.yield
    }) : () -> ()
    %barrier3A = arith.constant 0 : index
    tpu.barrier barrier_id(%barrier3A)
    %mul3A_87 = arith.constant 20000 : i32
    %mul3A_88 = arith.muli %add3A, %mul3A_87 : i32
    %iota3A = tpu.iota {dimensions = array<i32: 0>} : vector<16xi32>
    %lt3A = arith.constant 1 : i32
    %lt3A_89 = vector.broadcast %lt3A : i32 to vector<16xi32>
    %lt3A_90 = arith.cmpi slt, %iota3A, %lt3A_89 : vector<16xi32>
    %scan3A_91 = arith.constant 0 : i32
    %scan3A_92 = arith.constant 0 : i32
    %scan3A_93 = arith.constant 250 : i32
    %scan3A_94 = arith.addi %scan3A_92, %scan3A_93 : i32
    %scan3A_95 = arith.constant 1 : i32
    %scan3A_96 = scf.for %scan3A_103 = %scan3A_92 to %scan3A_94 step %scan3A_95 iter_args(%scan3A_104 = %scan3A_91) -> (i32)  : i32 {
      %mul3A_105 = arith.constant 80 : i32
      %mul3A_106 = arith.muli %scan3A_103, %mul3A_105 : i32
      %add3A_107 = arith.addi %mul3A_88, %mul3A_106 : i32
      "tpu.region"() ({
        %run_scoped3A = tpu.sem_alloc : memref<!tpu.dma_semaphore, #tpu.memory_space<semaphore_mem>>
        %dma_start3A_126 = tpu.memref_slice %arg4[%add3A_107] : memref<640000xi32, #tpu.memory_space<hbm>> -> memref<80xi32, #tpu.memory_space<hbm>>
        %dma_start3A_127 = tpu.memref_slice %arg4[%add3A_107] : memref<640000xi32, #tpu.memory_space<hbm>> -> memref<80xi32, #tpu.memory_space<hbm>>
        tpu.enqueue_dma source(%dma_start3A_127 : memref<80xi32, #tpu.memory_space<hbm>>) target(%arg7 : memref<80xi32, #tpu.memory_space<vmem>>) target_semaphore(%run_scoped3A : memref<!tpu.dma_semaphore, #tpu.memory_space<semaphore_mem>>)
        %dma_wait3A_128 = tpu.memref_slice %arg4[%add3A_107] : memref<640000xi32, #tpu.memory_space<hbm>> -> memref<80xi32, #tpu.memory_space<hbm>>
        %dma_wait3A_129 = tpu.memref_slice %arg4[%add3A_107] : memref<640000xi32, #tpu.memory_space<hbm>> -> memref<80xi32, #tpu.memory_space<hbm>>
        tpu.wait_dma2 semaphore(%run_scoped3A : memref<!tpu.dma_semaphore, #tpu.memory_space<semaphore_mem>>) src(%dma_wait3A_129 : memref<80xi32, #tpu.memory_space<hbm>>) dst(%arg7 : memref<80xi32, #tpu.memory_space<vmem>>)
        tpu.yield
      }) : () -> ()
      "tpu.region"() ({
        %run_scoped3A = tpu.sem_alloc : memref<!tpu.dma_semaphore, #tpu.memory_space<semaphore_mem>>
        %dma_start3A_126 = tpu.memref_slice %arg5[%add3A_107] : memref<640000xi32, #tpu.memory_space<hbm>> -> memref<80xi32, #tpu.memory_space<hbm>>
        %dma_start3A_127 = tpu.memref_slice %arg5[%add3A_107] : memref<640000xi32, #tpu.memory_space<hbm>> -> memref<80xi32, #tpu.memory_space<hbm>>
        tpu.enqueue_dma source(%dma_start3A_127 : memref<80xi32, #tpu.memory_space<hbm>>) target(%arg8 : memref<80xi32, #tpu.memory_space<vmem>>) target_semaphore(%run_scoped3A : memref<!tpu.dma_semaphore, #tpu.memory_space<semaphore_mem>>)
        %dma_wait3A_128 = tpu.memref_slice %arg5[%add3A_107] : memref<640000xi32, #tpu.memory_space<hbm>> -> memref<80xi32, #tpu.memory_space<hbm>>
        %dma_wait3A_129 = tpu.memref_slice %arg5[%add3A_107] : memref<640000xi32, #tpu.memory_space<hbm>> -> memref<80xi32, #tpu.memory_space<hbm>>
        tpu.wait_dma2 semaphore(%run_scoped3A : memref<!tpu.dma_semaphore, #tpu.memory_space<semaphore_mem>>) src(%dma_wait3A_129 : memref<80xi32, #tpu.memory_space<hbm>>) dst(%arg8 : memref<80xi32, #tpu.memory_space<vmem>>)
        tpu.yield
      }) : () -> ()
      %dma_start3A = arith.constant 0 : i32
      %dma_start3A_108 = arith.constant 0 : i32
      %dma_start3A_109 = tpu.memref_slice %arg2[%dma_start3A, %dma_start3A_108] : memref<10000x32xf32, #tpu.memory_space<hbm>> -> memref<10000x32xf32, #tpu.memory_space<hbm>>
      tpu.enqueue_indirect_dma source(%dma_start3A_109 : memref<10000x32xf32, #tpu.memory_space<hbm>>) target(%arg9 : memref<80x32xf32, #tpu.memory_space<vmem>>) offsets(%arg7 : memref<80xi32, #tpu.memory_space<vmem>>) semaphore(%arg14 : memref<!tpu.dma_semaphore, #tpu.memory_space<semaphore_mem>>)
      %dma_start3A_110 = arith.constant 0 : i32
      %dma_start3A_111 = arith.constant 0 : i32
      %dma_start3A_112 = tpu.memref_slice %arg3[%dma_start3A_110, %dma_start3A_111] : memref<10000x16xf32, #tpu.memory_space<hbm>> -> memref<10000x16xf32, #tpu.memory_space<hbm>>
      tpu.enqueue_indirect_dma source(%dma_start3A_112 : memref<10000x16xf32, #tpu.memory_space<hbm>>) target(%arg10 : memref<80x16xf32, #tpu.memory_space<vmem>>) offsets(%arg8 : memref<80xi32, #tpu.memory_space<vmem>>) semaphore(%arg15 : memref<!tpu.dma_semaphore, #tpu.memory_space<semaphore_mem>>)
      %dma_wait3A = arith.constant 0 : i32
      %dma_wait3A_113 = arith.constant 0 : i32
      %dma_wait3A_114 = tpu.memref_slice %arg2[%dma_wait3A, %dma_wait3A_113] : memref<10000x32xf32, #tpu.memory_space<hbm>> -> memref<10000x32xf32, #tpu.memory_space<hbm>>
      tpu.wait_indirect_dma semaphore(%arg14 : memref<!tpu.dma_semaphore, #tpu.memory_space<semaphore_mem>>) src(%dma_wait3A_114 : memref<10000x32xf32, #tpu.memory_space<hbm>>) dst(%arg9 : memref<80x32xf32, #tpu.memory_space<vmem>>)
      %dma_wait3A_115 = arith.constant 0 : i32
      %dma_wait3A_116 = arith.constant 0 : i32
      %dma_wait3A_117 = tpu.memref_slice %arg3[%dma_wait3A_115, %dma_wait3A_116] : memref<10000x16xf32, #tpu.memory_space<hbm>> -> memref<10000x16xf32, #tpu.memory_space<hbm>>
      tpu.wait_indirect_dma semaphore(%arg15 : memref<!tpu.dma_semaphore, #tpu.memory_space<semaphore_mem>>) src(%dma_wait3A_117 : memref<10000x16xf32, #tpu.memory_space<hbm>>) dst(%arg10 : memref<80x16xf32, #tpu.memory_space<vmem>>)
      %scan3A_118 = arith.constant 0 : i32
      %scan3A_119 = arith.constant 0 : i32
      %scan3A_120 = arith.constant 80 : i32
      %scan3A_121 = arith.addi %scan3A_119, %scan3A_120 : i32
      %scan3A_122 = arith.constant 1 : i32
      %scan3A_123 = scf.for %scan3A_126 = %scan3A_119 to %scan3A_121 step %scan3A_122 iter_args(%scan3A_127 = %scan3A_118) -> (i32)  : i32 {
        %get3A = arith.index_cast %scan3A_126 : i32 to index
        %get3A_128 = arith.constant 0 : index
        %get3A_129 = tpu.vector_load %arg9[%get3A, %get3A_128] {strides = array<i32>} : memref<80x32xf32, #tpu.memory_space<vmem>>, vector<1x16xf32>,
        %get3A_130 = vector.shape_cast %get3A_129 : vector<1x16xf32> to vector<16xf32>
        %get3A_131 = arith.index_cast %scan3A_126 : i32 to index
        %get3A_132 = arith.constant 16 : index
        %get3A_133 = tpu.vector_load %arg9[%get3A_131, %get3A_132] {strides = array<i32>} : memref<80x32xf32, #tpu.memory_space<vmem>>, vector<1x16xf32>,
        %get3A_134 = vector.shape_cast %get3A_133 : vector<1x16xf32> to vector<16xf32>
        %get3A_135 = arith.index_cast %scan3A_126 : i32 to index
        %get3A_136 = arith.constant 0 : index
        %get3A_137 = tpu.vector_load %arg10[%get3A_135, %get3A_136] {strides = array<i32>} : memref<80x16xf32, #tpu.memory_space<vmem>>, vector<1x16xf32>,
        %get3A_138 = vector.shape_cast %get3A_137 : vector<1x16xf32> to vector<16xf32>
        %add3A_139 = arith.addf %get3A_134, %get3A_138 : vector<16xf32>
        %mul3A_140 = arith.constant 2.000000e-01 : f32
        %mul3A_141 = vector.broadcast %mul3A_140 : f32 to vector<16xf32>
        %mul3A_142 = arith.mulf %mul3A_141, %add3A_139 : vector<16xf32>
        %max3A = arith.maximumf %add3A_139, %mul3A_142 : vector<16xf32>
        %iota3A_143 = tpu.iota {dimensions = array<i32: 0>} : vector<16xi32>
        %and3A = arith.constant 0 : i32
        %and3A_144 = vector.broadcast %and3A : i32 to vector<16xi32>
        %and3A_145 = arith.andi %iota3A_143, %and3A_144 : vector<16xi32>
        %add3A_146 = arith.constant 1 : i32
        %add3A_147 = vector.broadcast %add3A_146 : i32 to vector<16xi32>
        %add3A_148 = arith.addi %and3A_145, %add3A_147 : vector<16xi32>
        %broadcast_in_dim3A = vector.shape_cast %add3A_148 : vector<16xi32> to vector<16x1xi32>
        %gather3A = vector.shape_cast %broadcast_in_dim3A : vector<16x1xi32> to vector<16xi32>
        %gather3A_149 = tpu.dynamic_gather %get3A_138[%gather3A] in [0] : vector<16xf32>, vector<16xi32> -> vector<16xf32>
        %sub3A = arith.subf %max3A, %gather3A_149 : vector<16xf32>
        %exp3A = math.exp %sub3A : vector<16xf32>
        %iota3A_150 = tpu.iota {dimensions = array<i32: 0>} : vector<16xi32>
        %and3A_151 = arith.constant 0 : i32
        %and3A_152 = vector.broadcast %and3A_151 : i32 to vector<16xi32>
        %and3A_153 = arith.andi %iota3A_150, %and3A_152 : vector<16xi32>
        %add3A_154 = arith.constant 0 : i32
        %add3A_155 = vector.broadcast %add3A_154 : i32 to vector<16xi32>
        %add3A_156 = arith.addi %and3A_153, %add3A_155 : vector<16xi32>
        %broadcast_in_dim3A_157 = vector.shape_cast %add3A_156 : vector<16xi32> to vector<16x1xi32>
        %gather3A_158 = vector.shape_cast %broadcast_in_dim3A_157 : vector<16x1xi32> to vector<16xi32>
        %gather3A_159 = tpu.dynamic_gather %exp3A[%gather3A_158] in [0] : vector<16xf32>, vector<16xi32> -> vector<16xf32>
        %mul3A_160 = arith.mulf %get3A_130, %gather3A_159 : vector<16xf32>
        %swap3A = arith.index_cast %scan3A_126 : i32 to index
        %swap3A_161 = arith.constant 0 : index
        %swap3A_162 = tpu.vector_load %arg11[%swap3A, %swap3A_161] {strides = array<i32>} : memref<80x32xf32, #tpu.memory_space<vmem>>, vector<1x16xf32>,
        %swap3A_163 = vector.shape_cast %swap3A_162 : vector<1x16xf32> to vector<16xf32>
        %swap3A_164 = vector.shape_cast %mul3A_160 : vector<16xf32> to vector<1x16xf32>
        tpu.vector_store %arg11[%swap3A, %swap3A_161], %swap3A_164 {strides = array<i32>} : memref<80x32xf32, #tpu.memory_space<vmem>>, vector<1x16xf32>,
        %jit3A = arith.constant 0.000000e+00 : f32
        %broadcast_in_dim3A_165 = vector.broadcast %jit3A : f32 to vector<16xf32>
        %select_n3A = arith.select %lt3A_90, %gather3A_159, %broadcast_in_dim3A_165 : vector<16xi1>, vector<16xf32>
        %swap3A_166 = arith.index_cast %scan3A_126 : i32 to index
        %swap3A_167 = arith.constant 16 : index
        %swap3A_168 = tpu.vector_load %arg11[%swap3A_166, %swap3A_167] {strides = array<i32>} : memref<80x32xf32, #tpu.memory_space<vmem>>, vector<1x16xf32>,
        %swap3A_169 = vector.shape_cast %swap3A_168 : vector<1x16xf32> to vector<16xf32>
        %swap3A_170 = vector.shape_cast %select_n3A : vector<16xf32> to vector<1x16xf32>
        tpu.vector_store %arg11[%swap3A_166, %swap3A_167], %swap3A_170 {strides = array<i32>} : memref<80x32xf32, #tpu.memory_space<vmem>>, vector<1x16xf32>,
        %scan3A_171 = arith.constant 0 : i32
        scf.yield %scan3A_171 : i32
      }
      %scan3A_124 = arith.constant 80 : i32
      "tpu.region"() ({
        %run_scoped3A = tpu.sem_alloc : memref<!tpu.dma_semaphore, #tpu.memory_space<semaphore_mem>>
        %dma_start3A_126 = arith.constant 0 : i32
        %dma_start3A_127 = arith.constant 0 : i32
        %dma_start3A_128 = tpu.memref_slice %arg13[%dma_start3A_126, %dma_start3A_127] : memref<10240x32xf32, #tpu.memory_space<vmem_shared>> -> memref<10240x32xf32, #tpu.memory_space<vmem_shared>>
        tpu.enqueue_indirect_dma source(%arg11 : memref<80x32xf32, #tpu.memory_space<vmem>>) target(%dma_start3A_128 : memref<10240x32xf32, #tpu.memory_space<vmem_shared>>) offsets(%arg8 : memref<80xi32, #tpu.memory_space<vmem>>) semaphore(%run_scoped3A : memref<!tpu.dma_semaphore, #tpu.memory_space<semaphore_mem>>) {add = true}
        %dma_wait3A_129 = arith.constant 0 : i32
        %dma_wait3A_130 = arith.constant 0 : i32
        %dma_wait3A_131 = tpu.memref_slice %arg13[%dma_wait3A_129, %dma_wait3A_130] : memref<10240x32xf32, #tpu.memory_space<vmem_shared>> -> memref<10240x32xf32, #tpu.memory_space<vmem_shared>>
        tpu.wait_indirect_dma semaphore(%run_scoped3A : memref<!tpu.dma_semaphore, #tpu.memory_space<semaphore_mem>>) src(%arg11 : memref<80x32xf32, #tpu.memory_space<vmem>>) dst(%dma_wait3A_131 : memref<10240x32xf32, #tpu.memory_space<vmem_shared>>)
        tpu.yield
      }) : () -> ()
      %scan3A_125 = arith.constant 0 : i32
      scf.yield %scan3A_125 : i32
    }
    %scan3A_97 = arith.constant 250 : i32
    %barrier3A_98 = arith.constant 0 : index
    tpu.barrier barrier_id(%barrier3A_98)
    %mul3A_99 = arith.constant 640 : i32
    %mul3A_100 = arith.muli %arg1, %mul3A_99 : i32
    %mul3A_101 = arith.constant 640 : i32
    %mul3A_102 = arith.muli %arg1, %mul3A_101 : i32
    "tpu.region"() ({
      %run_scoped3A = tpu.sem_alloc : memref<!tpu.dma_semaphore, #tpu.memory_space<semaphore_mem>>
      %dma_start3A = arith.constant 0 : i32
      %dma_start3A_103 = tpu.memref_slice %arg6[%arg0, %mul3A_102, %dma_start3A] : memref<2x10240x32xf32, #tpu.memory_space<hbm>> -> memref<1x640x32xf32, #tpu.memory_space<hbm>>
      %dma_start3A_104 = tpu.memref_squeeze %dma_start3A_103 : memref<1x640x32xf32, #tpu.memory_space<hbm>> -> memref<640x32xf32, #tpu.memory_space<hbm>>
      %dma_start3A_105 = arith.constant 0 : i32
      %dma_start3A_106 = tpu.memref_slice %arg13[%mul3A_100, %dma_start3A_105] : memref<10240x32xf32, #tpu.memory_space<vmem_shared>> -> memref<640x32xf32, #tpu.memory_space<vmem_shared>>
      tpu.enqueue_dma source(%dma_start3A_106 : memref<640x32xf32, #tpu.memory_space<vmem_shared>>) target(%dma_start3A_104 : memref<640x32xf32, #tpu.memory_space<hbm>>) target_semaphore(%run_scoped3A : memref<!tpu.dma_semaphore, #tpu.memory_space<semaphore_mem>>)
      %dma_wait3A = arith.constant 0 : i32
      %dma_wait3A_107 = tpu.memref_slice %arg6[%arg0, %mul3A_102, %dma_wait3A] : memref<2x10240x32xf32, #tpu.memory_space<hbm>> -> memref<1x640x32xf32, #tpu.memory_space<hbm>>
      %dma_wait3A_108 = tpu.memref_squeeze %dma_wait3A_107 : memref<1x640x32xf32, #tpu.memory_space<hbm>> -> memref<640x32xf32, #tpu.memory_space<hbm>>
      %dma_wait3A_109 = arith.constant 0 : i32
      %dma_wait3A_110 = tpu.memref_slice %arg13[%mul3A_100, %dma_wait3A_109] : memref<10240x32xf32, #tpu.memory_space<vmem_shared>> -> memref<640x32xf32, #tpu.memory_space<vmem_shared>>
      tpu.wait_dma2 semaphore(%run_scoped3A : memref<!tpu.dma_semaphore, #tpu.memory_space<semaphore_mem>>) src(%dma_wait3A_110 : memref<640x32xf32, #tpu.memory_space<vmem_shared>>) dst(%dma_wait3A_108 : memref<640x32xf32, #tpu.memory_space<hbm>>)
      tpu.yield
    }) : () -> ()
    return
  }
}

module attributes {stable_mosaic.version = 14 : i64} {
  func.func @_stage_a_body(%arg0: memref<10000x128xf32, #tpu.memory_space<vmem>>, %arg1: memref<128x128xf32, #tpu.memory_space<vmem>>, %arg2: memref<128x8xf32, #tpu.memory_space<vmem>>, %arg3: memref<128x8xf32, #tpu.memory_space<vmem>>, %arg4: memref<10000x144xf32, #tpu.memory_space<vmem>>, %arg5: memref<10000x16xf32, #tpu.memory_space<vmem>>) attributes {dimension_semantics = [], scalar_prefetch = 0 : i64, scratch_operands = 0 : i64, tpu.core_type = #tpu.core_type<tc>} {
    %get3A = arith.constant 0 : index
    %get3A_0 = arith.constant 0 : index
    %get3A_1 = vector.load %arg0[%get3A, %get3A_0] : memref<10000x128xf32, #tpu.memory_space<vmem>>, vector<10000x128xf32>
    %get3A_2 = arith.constant 0 : index
    %get3A_3 = arith.constant 0 : index
    %get3A_4 = vector.load %arg1[%get3A_2, %get3A_3] : memref<128x128xf32, #tpu.memory_space<vmem>>, vector<128x128xf32>
    %dot_general3A = arith.constant dense<0.000000e+00> : vector<10000x128xf32>
    %dot_general3A_5 = tpu.matmul %get3A_1, %get3A_4, %dot_general3A {dimension_numbers = #tpu.dot_dimension_numbers<[1], [0], [0], [1], [0, 0, 1, 1], [], []>, transpose_lhs_hint = false} : vector<10000x128xf32>, vector<128x128xf32>, vector<10000x128xf32> -> vector<10000x128xf32>
    %get3A_6 = arith.constant 0 : index
    %get3A_7 = arith.constant 0 : index
    %get3A_8 = vector.load %arg2[%get3A_6, %get3A_7] : memref<128x8xf32, #tpu.memory_space<vmem>>, vector<128x8xf32>
    %dot_general3A_9 = arith.constant dense<0.000000e+00> : vector<10000x8xf32>
    %dot_general3A_10 = tpu.matmul %dot_general3A_5, %get3A_8, %dot_general3A_9 {dimension_numbers = #tpu.dot_dimension_numbers<[1], [0], [0], [1], [0, 0, 1, 1], [], []>, transpose_lhs_hint = false} : vector<10000x128xf32>, vector<128x8xf32>, vector<10000x8xf32> -> vector<10000x8xf32>
    %get3A_11 = arith.constant 0 : index
    %get3A_12 = arith.constant 0 : index
    %get3A_13 = vector.load %arg3[%get3A_11, %get3A_12] : memref<128x8xf32, #tpu.memory_space<vmem>>, vector<128x8xf32>
    %dot_general3A_14 = arith.constant dense<0.000000e+00> : vector<10000x8xf32>
    %dot_general3A_15 = tpu.matmul %dot_general3A_5, %get3A_13, %dot_general3A_14 {dimension_numbers = #tpu.dot_dimension_numbers<[1], [0], [0], [1], [0, 0, 1, 1], [], []>, transpose_lhs_hint = false} : vector<10000x128xf32>, vector<128x8xf32>, vector<10000x8xf32> -> vector<10000x8xf32>
    %reduce_max3A = arith.constant dense<0xFF800000> : vector<8xf32>
    %reduce_max3A_16 = vector.multi_reduction <maximumf>, %dot_general3A_10, %reduce_max3A [0] : vector<10000x8xf32> to vector<8xf32>
    %broadcast_in_dim3A = vector.shape_cast %reduce_max3A_16 : vector<8xf32> to vector<1x8xf32>
    %add3A = vector.broadcast %broadcast_in_dim3A : vector<1x8xf32> to vector<10000x8xf32>
    %add3A_17 = arith.addf %add3A, %dot_general3A_15 : vector<10000x8xf32>
    %mul3A = arith.constant 2.000000e-01 : f32
    %mul3A_18 = vector.broadcast %mul3A : f32 to vector<10000x8xf32>
    %mul3A_19 = arith.mulf %mul3A_18, %add3A_17 : vector<10000x8xf32>
    %max3A = arith.maximumf %add3A_17, %mul3A_19 : vector<10000x8xf32>
    %broadcast_in_dim3A_20 = arith.constant 0.000000e+00 : f32
    %broadcast_in_dim3A_21 = vector.broadcast %broadcast_in_dim3A_20 : f32 to vector<10000x8xf32>
    %concatenate3A = tpu.concatenate %dot_general3A_5, %dot_general3A_10, %broadcast_in_dim3A_21 in 1 : vector<10000x128xf32>, vector<10000x8xf32>, vector<10000x8xf32> -> vector<10000x144xf32>
    %swap3A = arith.constant 0 : index
    %swap3A_22 = arith.constant 0 : index
    %swap3A_23 = vector.load %arg4[%swap3A, %swap3A_22] : memref<10000x144xf32, #tpu.memory_space<vmem>>, vector<10000x144xf32>
    tpu.vector_store %arg4[%swap3A, %swap3A_22], %concatenate3A {strides = array<i32>} : memref<10000x144xf32, #tpu.memory_space<vmem>>, vector<10000x144xf32>,
    %concatenate3A_24 = tpu.concatenate %dot_general3A_15, %max3A in 1 : vector<10000x8xf32>, vector<10000x8xf32> -> vector<10000x16xf32>
    %swap3A_25 = arith.constant 0 : index
    %swap3A_26 = arith.constant 0 : index
    %swap3A_27 = vector.load %arg5[%swap3A_25, %swap3A_26] : memref<10000x16xf32, #tpu.memory_space<vmem>>, vector<10000x16xf32>
    tpu.vector_store %arg5[%swap3A_25, %swap3A_26], %concatenate3A_24 {strides = array<i32>} : memref<10000x16xf32, #tpu.memory_space<vmem>>, vector<10000x16xf32>,
    return
  }
}

module attributes {stable_mosaic.version = 14 : i64} {
  func.func @_stage_c_body(%arg0: memref<2x10240x144xf32, #tpu.memory_space<vmem>>, %arg1: memref<1x128xf32, #tpu.memory_space<vmem>>, %arg2: memref<128x16xf32, #tpu.memory_space<vmem>>, %arg3: memref<16x16xf32, #tpu.memory_space<vmem>>, %arg4: memref<16x16xf32, #tpu.memory_space<vmem>>, %arg5: memref<8x128xf32, #tpu.memory_space<vmem>>, %arg6: memref<16x16xf32, #tpu.memory_space<vmem>>, %arg7: memref<16x16xf32, #tpu.memory_space<vmem>>, %arg8: memref<10000x32xf32, #tpu.memory_space<vmem>>, %arg9: memref<10000x16xf32, #tpu.memory_space<vmem>>) attributes {dimension_semantics = [], scalar_prefetch = 0 : i64, scratch_operands = 0 : i64, tpu.core_type = #tpu.core_type<tc>} {
    %get3A = arith.constant 0 : index
    %get3A_0 = arith.constant 0 : index
    %get3A_1 = arith.constant 0 : index
    %get3A_2 = vector.load %arg0[%get3A, %get3A_0, %get3A_1] : memref<2x10240x144xf32, #tpu.memory_space<vmem>>, vector<1x10000x144xf32>
    %get3A_3 = vector.shape_cast %get3A_2 : vector<1x10000x144xf32> to vector<10000x144xf32>
    %get3A_4 = arith.constant 1 : index
    %get3A_5 = arith.constant 0 : index
    %get3A_6 = arith.constant 0 : index
    %get3A_7 = vector.load %arg0[%get3A_4, %get3A_5, %get3A_6] : memref<2x10240x144xf32, #tpu.memory_space<vmem>>, vector<1x10000x144xf32>
    %get3A_8 = vector.shape_cast %get3A_7 : vector<1x10000x144xf32> to vector<10000x144xf32>
    %add3A = arith.addf %get3A_3, %get3A_8 : vector<10000x144xf32>
    %slice3A = vector.extract_strided_slice %add3A {offsets = [0, 0], sizes = [10000, 128], strides = [1, 1]} : vector<10000x144xf32> to vector<10000x128xf32>
    %slice3A_9 = vector.extract_strided_slice %add3A {offsets = [0, 128], sizes = [10000, 8], strides = [1, 1]} : vector<10000x144xf32> to vector<10000x8xf32>
    %max3A = arith.constant 1.000000e-16 : f32
    %max3A_10 = vector.broadcast %max3A : f32 to vector<10000x8xf32>
    %max3A_11 = arith.maximumf %slice3A_9, %max3A_10 : vector<10000x8xf32>
    %div3A = arith.constant 1.000000e+00 : f32
    %div3A_12 = vector.broadcast %div3A : f32 to vector<10000x8xf32>
    %div3A_13 = arith.divf %div3A_12, %max3A_11 : vector<10000x8xf32>
    %get3A_14 = arith.constant 0 : index
    %get3A_15 = arith.constant 0 : index
    %get3A_16 = vector.load %arg5[%get3A_14, %get3A_15] : memref<8x128xf32, #tpu.memory_space<vmem>>, vector<8x128xf32>
    %dot_general3A = arith.constant dense<0.000000e+00> : vector<10000x128xf32>
    %dot_general3A_17 = tpu.matmul %div3A_13, %get3A_16, %dot_general3A {dimension_numbers = #tpu.dot_dimension_numbers<[1], [0], [0], [1], [0, 0, 1, 1], [], []>, transpose_lhs_hint = false} : vector<10000x8xf32>, vector<8x128xf32>, vector<10000x128xf32> -> vector<10000x128xf32>
    %mul3A = arith.mulf %slice3A, %dot_general3A_17 : vector<10000x128xf32>
    %get3A_18 = arith.constant 0 : index
    %get3A_19 = arith.constant 0 : index
    %get3A_20 = vector.load %arg1[%get3A_18, %get3A_19] : memref<1x128xf32, #tpu.memory_space<vmem>>, vector<1x128xf32>
    %add3A_21 = vector.broadcast %get3A_20 : vector<1x128xf32> to vector<10000x128xf32>
    %add3A_22 = arith.addf %mul3A, %add3A_21 : vector<10000x128xf32>
    %gt3A = arith.constant 0.000000e+00 : f32
    %gt3A_23 = vector.broadcast %gt3A : f32 to vector<10000x128xf32>
    %gt3A_24 = arith.cmpf ogt, %add3A_22, %gt3A_23 : vector<10000x128xf32>
    %exp3A = math.exp %add3A_22 : vector<10000x128xf32>
    %sub3A = arith.constant 1.000000e+00 : f32
    %sub3A_25 = vector.broadcast %sub3A : f32 to vector<10000x128xf32>
    %sub3A_26 = arith.subf %exp3A, %sub3A_25 : vector<10000x128xf32>
    %select_n3A = arith.select %gt3A_24, %add3A_22, %sub3A_26 : vector<10000x128xi1>, vector<10000x128xf32>
    %get3A_27 = arith.constant 0 : index
    %get3A_28 = arith.constant 0 : index
    %get3A_29 = vector.load %arg2[%get3A_27, %get3A_28] : memref<128x16xf32, #tpu.memory_space<vmem>>, vector<128x16xf32>
    %dot_general3A_30 = arith.constant dense<0.000000e+00> : vector<10000x16xf32>
    %dot_general3A_31 = tpu.matmul %select_n3A, %get3A_29, %dot_general3A_30 {dimension_numbers = #tpu.dot_dimension_numbers<[1], [0], [0], [1], [0, 0, 1, 1], [], []>, transpose_lhs_hint = false} : vector<10000x128xf32>, vector<128x16xf32>, vector<10000x16xf32> -> vector<10000x16xf32>
    %get3A_32 = arith.constant 0 : index
    %get3A_33 = arith.constant 0 : index
    %get3A_34 = vector.load %arg3[%get3A_32, %get3A_33] : memref<16x16xf32, #tpu.memory_space<vmem>>, vector<16x16xf32>
    %dot_general3A_35 = arith.constant dense<0.000000e+00> : vector<10000x16xf32>
    %dot_general3A_36 = tpu.matmul %dot_general3A_31, %get3A_34, %dot_general3A_35 {dimension_numbers = #tpu.dot_dimension_numbers<[1], [0], [0], [1], [0, 0, 1, 1], [], []>, transpose_lhs_hint = false} : vector<10000x16xf32>, vector<16x16xf32>, vector<10000x16xf32> -> vector<10000x16xf32>
    %get3A_37 = arith.constant 0 : index
    %get3A_38 = arith.constant 0 : index
    %get3A_39 = vector.load %arg4[%get3A_37, %get3A_38] : memref<16x16xf32, #tpu.memory_space<vmem>>, vector<16x16xf32>
    %dot_general3A_40 = arith.constant dense<0.000000e+00> : vector<10000x16xf32>
    %dot_general3A_41 = tpu.matmul %dot_general3A_31, %get3A_39, %dot_general3A_40 {dimension_numbers = #tpu.dot_dimension_numbers<[1], [0], [0], [1], [0, 0, 1, 1], [], []>, transpose_lhs_hint = false} : vector<10000x16xf32>, vector<16x16xf32>, vector<10000x16xf32> -> vector<10000x16xf32>
    %reduce_max3A = arith.constant dense<0xFF800000> : vector<16xf32>
    %reduce_max3A_42 = vector.multi_reduction <maximumf>, %dot_general3A_36, %reduce_max3A [0] : vector<10000x16xf32> to vector<16xf32>
    %broadcast_in_dim3A = vector.shape_cast %reduce_max3A_42 : vector<16xf32> to vector<1x16xf32>
    %add3A_43 = vector.broadcast %broadcast_in_dim3A : vector<1x16xf32> to vector<10000x16xf32>
    %add3A_44 = arith.addf %add3A_43, %dot_general3A_41 : vector<10000x16xf32>
    %mul3A_45 = arith.constant 2.000000e-01 : f32
    %mul3A_46 = vector.broadcast %mul3A_45 : f32 to vector<10000x16xf32>
    %mul3A_47 = arith.mulf %mul3A_46, %add3A_44 : vector<10000x16xf32>
    %max3A_48 = arith.maximumf %add3A_44, %mul3A_47 : vector<10000x16xf32>
    %concatenate3A = tpu.concatenate %dot_general3A_31, %dot_general3A_36 in 1 : vector<10000x16xf32>, vector<10000x16xf32> -> vector<10000x32xf32>
    %swap3A = arith.constant 0 : index
    %swap3A_49 = arith.constant 0 : index
    %swap3A_50 = vector.load %arg8[%swap3A, %swap3A_49] : memref<10000x32xf32, #tpu.memory_space<vmem>>, vector<10000x32xf32>
    tpu.vector_store %arg8[%swap3A, %swap3A_49], %concatenate3A {strides = array<i32>} : memref<10000x32xf32, #tpu.memory_space<vmem>>, vector<10000x32xf32>,
    %get3A_51 = arith.constant 0 : index
    %get3A_52 = arith.constant 0 : index
    %get3A_53 = vector.load %arg6[%get3A_51, %get3A_52] : memref<16x16xf32, #tpu.memory_space<vmem>>, vector<16x16xf32>
    %dot_general3A_54 = arith.constant dense<0.000000e+00> : vector<10000x16xf32>
    %dot_general3A_55 = tpu.matmul %dot_general3A_41, %get3A_53, %dot_general3A_54 {dimension_numbers = #tpu.dot_dimension_numbers<[1], [0], [0], [1], [0, 0, 1, 1], [], []>, transpose_lhs_hint = false} : vector<10000x16xf32>, vector<16x16xf32>, vector<10000x16xf32> -> vector<10000x16xf32>
    %get3A_56 = arith.constant 0 : index
    %get3A_57 = arith.constant 0 : index
    %get3A_58 = vector.load %arg7[%get3A_56, %get3A_57] : memref<16x16xf32, #tpu.memory_space<vmem>>, vector<16x16xf32>
    %dot_general3A_59 = arith.constant dense<0.000000e+00> : vector<10000x16xf32>
    %dot_general3A_60 = tpu.matmul %max3A_48, %get3A_58, %dot_general3A_59 {dimension_numbers = #tpu.dot_dimension_numbers<[1], [0], [0], [1], [0, 0, 1, 1], [], []>, transpose_lhs_hint = false} : vector<10000x16xf32>, vector<16x16xf32>, vector<10000x16xf32> -> vector<10000x16xf32>
    %add3A_61 = arith.addf %dot_general3A_55, %dot_general3A_60 : vector<10000x16xf32>
    %swap3A_62 = arith.constant 0 : index
    %swap3A_63 = arith.constant 0 : index
    %swap3A_64 = vector.load %arg9[%swap3A_62, %swap3A_63] : memref<10000x16xf32, #tpu.memory_space<vmem>>, vector<10000x16xf32>
    tpu.vector_store %arg9[%swap3A_62, %swap3A_63], %add3A_61 {strides = array<i32>} : memref<10000x16xf32, #tpu.memory_space<vmem>>, vector<10000x16xf32>,
    return
  }
}

module attributes {stable_mosaic.version = 14 : i64} {
  func.func @_stage_e_body(%arg0: memref<2x10240x32xf32, #tpu.memory_space<vmem>>, %arg1: memref<1x16xf32, #tpu.memory_space<vmem>>, %arg2: memref<16x16xf32, #tpu.memory_space<vmem>>, %arg3: memref<10000x16xf32, #tpu.memory_space<vmem>>) attributes {dimension_semantics = [], scalar_prefetch = 0 : i64, scratch_operands = 0 : i64, tpu.core_type = #tpu.core_type<tc>} {
    %get3A = arith.constant 0 : index
    %get3A_0 = arith.constant 0 : index
    %get3A_1 = arith.constant 0 : index
    %get3A_2 = vector.load %arg0[%get3A, %get3A_0, %get3A_1] : memref<2x10240x32xf32, #tpu.memory_space<vmem>>, vector<1x10000x32xf32>
    %get3A_3 = vector.shape_cast %get3A_2 : vector<1x10000x32xf32> to vector<10000x32xf32>
    %get3A_4 = arith.constant 1 : index
    %get3A_5 = arith.constant 0 : index
    %get3A_6 = arith.constant 0 : index
    %get3A_7 = vector.load %arg0[%get3A_4, %get3A_5, %get3A_6] : memref<2x10240x32xf32, #tpu.memory_space<vmem>>, vector<1x10000x32xf32>
    %get3A_8 = vector.shape_cast %get3A_7 : vector<1x10000x32xf32> to vector<10000x32xf32>
    %add3A = arith.addf %get3A_3, %get3A_8 : vector<10000x32xf32>
    %slice3A = vector.extract_strided_slice %add3A {offsets = [0, 0], sizes = [10000, 16], strides = [1, 1]} : vector<10000x32xf32> to vector<10000x16xf32>
    %slice3A_9 = vector.extract_strided_slice %add3A {offsets = [0, 16], sizes = [10000, 16], strides = [1, 1]} : vector<10000x32xf32> to vector<10000x16xf32>
    %get3A_10 = arith.constant 0 : index
    %get3A_11 = arith.constant 0 : index
    %get3A_12 = vector.load %arg2[%get3A_10, %get3A_11] : memref<16x16xf32, #tpu.memory_space<vmem>>, vector<16x16xf32>
    %dot_general3A = arith.constant dense<0.000000e+00> : vector<10000x16xf32>
    %dot_general3A_13 = tpu.matmul %slice3A_9, %get3A_12, %dot_general3A {dimension_numbers = #tpu.dot_dimension_numbers<[1], [0], [0], [1], [0, 0, 1, 1], [], []>, transpose_lhs_hint = false} : vector<10000x16xf32>, vector<16x16xf32>, vector<10000x16xf32> -> vector<10000x16xf32>
    %max3A = arith.constant 1.000000e-16 : f32
    %max3A_14 = vector.broadcast %max3A : f32 to vector<10000x16xf32>
    %max3A_15 = arith.maximumf %dot_general3A_13, %max3A_14 : vector<10000x16xf32>
    %div3A = arith.divf %slice3A, %max3A_15 : vector<10000x16xf32>
    %get3A_16 = arith.constant 0 : index
    %get3A_17 = arith.constant 0 : index
    %get3A_18 = vector.load %arg1[%get3A_16, %get3A_17] : memref<1x16xf32, #tpu.memory_space<vmem>>, vector<1x16xf32>
    %add3A_19 = vector.broadcast %get3A_18 : vector<1x16xf32> to vector<10000x16xf32>
    %add3A_20 = arith.addf %div3A, %add3A_19 : vector<10000x16xf32>
    %swap3A = arith.constant 0 : index
    %swap3A_21 = arith.constant 0 : index
    %swap3A_22 = vector.load %arg3[%swap3A, %swap3A_21] : memref<10000x16xf32, #tpu.memory_space<vmem>>, vector<10000x16xf32>
    tpu.vector_store %arg3[%swap3A, %swap3A_21], %add3A_20 {strides = array<i32>} : memref<10000x16xf32, #tpu.memory_space<vmem>>, vector<10000x16xf32>,
    return
  }
}

</mosaic_0001>

<sc_bundles>
// kernel: kernel.10.cloned.1.call-start
scs
__scs_entry_jumppad:
0x0: {  	(pc) =	sbr.rel $0x88, $3  }
0x1: {  	(tag) =	ssettag $0x0;
	lr =	simm.s32 $0x1  }
0x2: {  	[smem:$0x3F97] =	sst lr;
	_ =	strace $0xD0000000  }
0x3: {  	_ = 	snop  }
0x4: {  	_ = 	snop  }
0x5: {  	_ = 	snop  }
0x6: {  	_ = 	snop  }
0x7: {  	_ = 	snop  }
__scs_overlays_trampoline_lowered:
0x8: {  	[smem:$0x3FA6] =	sst s0  }
0x9: {  	[smem:$0x3FA7] =	sst s1  }
0xa: {  	[smem:$0x3FA8] =	sst s2  }
0xb: {  	[smem:$0x3FA9] =	sst s3  }
0xc: {  	[smem:$0x3FAA] =	sst s4  }
0xd: {  	[smem:$0x3FAB] =	sst s5  }
0xe: {  	[smem:$0x3FAC] =	sst s6  }
0xf: {  	[smem:$0x3FAD] =	sst s7  }
0x10: {  	[smem:$0x3FAE] =	sst s8  }
0x11: {  	[smem:$0x3FAF] =	sst s9;
	s0 =	simm.s32 @!p0 $0x0  }
0x12: {  	s1 =	sld [smem:$0x3F95];
	s0 =	simm.s32 @p0 $0x1  }
0x13: {  	[smem:$0x3FB0] =	sst s0;
	s0 =	simm.s32 @!p1 $0x0  }
0x14: {  	s2 =	sld [smem:$0x3F94];
	s0 =	simm.s32 @p1 $0x1  }
0x15: {  	[smem:$0x3FB1] =	sst s0;
	s0 =	simm.s32 @!p2 $0x0  }
0x16: {  	s3 =	sld [smem:$0x3FDB];
	s0 =	simm.s32 @p2 $0x1  }
0x17: {  	s4 =	simm.s32 $0x1BF5;
	[smem:$0x3FB3] =	sst s0  }
0x18: {  	s0 =	sld [smem:$0x3F96];
	_ =	swait.ge [sflag:s4], $0x0  }
0x19: {  	s7 =	sld [smem:$0x3F97]  }
0x1a: {  	s8 =	sadd.s32 $0xFFFFE003, lr  }
0x1b: {  	s9 =	sadd.s32 $0xFFFFFEF7, lr;
	s5 =	simm.s32 $0xFFFFFFFF;
	p2 =	slt.u32 s8, $0xFFFFF086  }
0x1c: {  	p1 =	slt.u32 s9, $0xF7A;
	s5 =	simm.s32 @!p2 $0x0  }
0x1d: {  	s5 =	simm.s32 @p1 $0x1;
	p0 =	seq.s32 s7, s2  }
0x1e: {  	s7 =	smul.u32 @!p0 $0xF7A, s2;
	p2 =	seq.s32 @!p0 s5, $0x0  }
0x1f: {  	s9 =	smul.u32 $0xF7A, s1;
	s8 =	simm.s32 @!p0 $0x1BF5;
	p2 =	por !p2, p0  }
0x20: {  	[sflag:s8] =	ssyncset.s32 @!p0 $0xFFFFF086;
	s6 =	sadd.s32 @!p0 s3, s7;
	s7 =	simm.s32 @!p0 $0x108  }
0x21: {  	s3 =	sadd.s32 s3, s9;
	s6 =	sadd.s32 @!p0 $0x88, s6;
	s7 =	simm.s32 @p2 $0x1082  }
0x22: {  	[simem:s7], [sflag:s8] =	dma.local @!p0 [hbm:s6], $0xF7A  }
0x23: {  	s9 =	sor.u32 $0xD0000000, s2;
	s6 =	simm.s32 $0x108;
	_ =	swait.ge @!p0 [sflag:s8], $0x0  }
0x24: {  	s3 =	sadd.s32 $0x88, s3;
	s6 =	simm.s32 @!p1 $0x1082;
	[sflag:s4] =	ssyncset.s32 $0xFFFFF086  }
0x25: {  	[simem:s6], [sflag:s4] =	dma.local [hbm:s3], $0xF7A  }
0x26: {  	[smem:$0x3F97] =	sst s1;
	(tag) =	ssettag s2;
	_ =	strace s9  }
0x27: {  	s1 =	sld [smem:$0x3FA7]  }
0x28: {  	s2 =	sld [smem:$0x3FA8]  }
0x29: {  	s4 =	sld [smem:$0x3FAA]  }
0x2a: {  	p0 =	seq.s32 s5, $0x0;
	s5 =	sld [smem:$0x3FAB]  }
0x2b: {  	s6 =	sld [smem:$0x3FAC]  }
0x2c: {  	s7 =	sld [smem:$0x3FAD]  }
0x2d: {  	s3 =	simm.s32 $0x108;
	s8 =	sld [smem:$0x3FAE]  }
0x2e: {  	s3 =	simm.s32 @!p0 $0x1082;
	s9 =	sld [smem:$0x3FAF]  }
0x2f: {  	lr =	sadd.s32 s0, s3;
	s0 =	sld [smem:$0x3FA6]  }
0x30: {  	s3 =	sld [smem:$0x3FA9]  }
0x31: {  	[smem:$0x3FB2] =	sst s10  }
0x32: {  	s10 =	sld [smem:$0x3FB0];
	_ =	sdelay $0x3  }
0x33: {  	p0 =	seq.s32 s10, $0x1;
	s10 =	sld [smem:$0x3FB2];
	_ =	sdelay $0x3  }
0x34: {  	[smem:$0x3FB2] =	sst s10  }
0x35: {  	s10 =	sld [smem:$0x3FB1];
	_ =	sdelay $0x3  }
0x36: {  	p1 =	seq.s32 s10, $0x1;
	s10 =	sld [smem:$0x3FB2];
	_ =	sdelay $0x3  }
0x37: {  	[smem:$0x3FB2] =	sst s10  }
0x38: {  	s10 =	sld [smem:$0x3FB3]  }
0x39: {  	_ = 	snop;
	(pc) =	sbr.ind lr, $3  }
0x3a: {  	_ = 	snop  }
0x3b: {  	_ = 	snop  }
0x3c: {  	p2 =	seq.s32 s10, $0x1;
	s10 =	sld [smem:$0x3FB2]  }
0x3d: {  	_ =	shalt  }
0x3e: {  	_ =	shalt  }
0x3f: {  	_ =	shalt  }
0x40: {  	_ =	shalt  }
0x41: {  	_ =	shalt  }
0x42: {  	_ =	shalt  }
0x43: {  	_ =	shalt  }
0x44: {  	_ =	shalt  }
0x45: {  	_ =	shalt  }
0x46: {  	_ =	shalt  }
0x47: {  	_ =	shalt  }
0x48: {  	_ =	shalt  }
0x49: {  	_ =	shalt  }
0x4a: {  	_ =	shalt  }
0x4b: {  	_ =	shalt  }
0x4c: {  	_ =	shalt  }
0x4d: {  	_ =	shalt  }
0x4e: {  	_ =	shalt  }
0x4f: {  	_ =	shalt  }
0x50: {  	_ =	shalt  }
0x51: {  	_ =	shalt  }
0x52: {  	_ =	shalt  }
0x53: {  	_ =	shalt  }
0x54: {  	_ =	shalt  }
0x55: {  	_ =	shalt  }
0x56: {  	_ =	shalt  }
0x57: {  	_ =	shalt  }
0x58: {  	_ =	shalt  }
0x59: {  	_ =	shalt  }
0x5a: {  	_ =	shalt  }
0x5b: {  	_ =	shalt  }
0x5c: {  	_ =	shalt  }
0x5d: {  	_ =	shalt  }
0x5e: {  	_ =	shalt  }
0x5f: {  	_ =	shalt  }
0x60: {  	_ =	shalt  }
0x61: {  	_ =	shalt  }
0x62: {  	_ =	shalt  }
0x63: {  	_ =	shalt  }
0x64: {  	_ =	shalt  }
0x65: {  	_ =	shalt  }
0x66: {  	_ =	shalt  }
0x67: {  	_ =	shalt  }
0x68: {  	_ =	shalt  }
0x69: {  	_ =	shalt  }
0x6a: {  	_ =	shalt  }
0x6b: {  	_ =	shalt  }
0x6c: {  	_ =	shalt  }
0x6d: {  	_ =	shalt  }
0x6e: {  	_ =	shalt  }
0x6f: {  	_ =	shalt  }
0x70: {  	_ =	shalt  }
0x71: {  	_ =	shalt  }
0x72: {  	_ =	shalt  }
0x73: {  	_ =	shalt  }
0x74: {  	_ =	shalt  }
0x75: {  	_ =	shalt  }
0x76: {  	_ =	shalt  }
0x77: {  	_ =	shalt  }
0x78: {  	_ =	shalt  }
0x79: {  	_ =	shalt  }
0x7a: {  	_ =	shalt  }
0x7b: {  	_ =	shalt  }
0x7c: {  	_ =	shalt  }
0x7d: {  	_ =	shalt  }
0x7e: {  	_ =	shalt  }
0x7f: {  	_ =	shalt  }
0x80: {  	_ =	shalt  }
0x81: {  	_ =	shalt  }
0x82: {  	_ =	shalt  }
0x83: {  	_ =	shalt  }
0x84: {  	_ =	shalt  }
0x85: {  	_ =	shalt  }
0x86: {  	_ =	shalt  }
0x87: {  	_ =	shalt  }
.Lfunc_end0:
.L_simem_size_0:
called_computation.1_lowered:
.L_overlay_start_0:
0x88: {  	s2 =	sld [smem:$0x3FD9]  }
0x89: {  	s3 =	sld [smem:$0x3FFE];
	_ =	sdelay $0x1  }
0x8a: {  	s1 =	srdreg.scid  }
0x8b: {  	s0 =	sand.u32 $0x1, s1  }
0x8c: {  	s17 =	sshll.u32 s0, $0xA;
	s2 =	sadd.s32 s3, s2  }
0x8d: {  	s2 =	sadd.s32 s2, s17  }
0x8e: {  	[smem:$0x3FBE] =	sst s2  }
0x8f: {  	_ = 	snop  }
0x90: {  	s2 =	sld [smem:$0x3FD0];
	(tm) =	ssettm $0x1  }
0x91: {  	s18 =	sld [smem:$0x3FFB];
	_ =	sdelay $0x3  }
0x92: {  	_ =	strace s18  }
0x93: {  	s3 =	sld [smem:$0x3FFC];
	_ =	sdelay $0x3  }
0x94: {  	_ =	strace s3  }
0x95: {  	s3 =	sld [smem:$0x3FFD];
	_ =	sdelay $0x3  }
0x96: {  	_ =	strace s3  }
0x97: {  	_ =	strace $0x8FFFFFFF  }
0x98: {  	s19 =	sld [smem:$0x3FDB];
	_ =	sdelay $0x1  }
0x99: {  	s4 =	simm.s32 $_scs_section_size  }
0x9a: {  	s5 =	simm.s32 $_size__tile_overlayer_lowered;
	s6 =	simm.s32 $_tile_overlayer_lowered  }
0x9b: {  	s22 =	simm.s32 $0x1BFF;
	s21 =	sshll.u32 s6, $0x1;
	s3 =	sadd.s32 s4, s19  }
0x9c: {  	s7 =	simm.s32 $0x0;
	s20 =	sshll.u32 s5, $0x1;
	s5 =	sadd.s32 s21, s3  }
0x9d: {  	[timem:s7], [sflag:s22] =	dma.local [hbm:s5], s20  }
0x9e: {  	_ =	swait.ge [sflag:s22], s20  }
0x9f: {  	s4 =	ssub.s32 $0x0, s20;
	[sflag:s22] =	ssyncset.done $0x0  }
0xa0: {  	[sflag:s22] =	ssyncadd.s32 s4;
	_ =	sdelay $0x1  }
0xa1: {  	s23 =	simm.s32 $0x1B8B  }
0xa2: {  	_ =	swait.ge [sflag:s23], $0x1  }
0xa3: {  	[sflag:s23] =	ssyncset.done $0x0  }
0xa4: {  	s25 =	simm.s32 $0x1B8E;
	s24 =	sld [smem:$0x3FFE];
	[sflag:s23] =	ssyncadd.s32 $0xFFFFFFFF  }
0xa5: {  	s26 =	simm.s32 $execute0_lowered;
	[smem:$0x3FD2] =	sst s25  }
0xa6: {  	s5 =	sshll.u32 s26, $0x1;
	_ =	strace $0x80000049;
	[dreg:$0x1] =	wrdreg $0xFFFFFFFF  }
0xa7: {  	s28 =	simm.s32 $_size_execute0_lowered;
	s3 =	sadd.s32 s3, s5;
	[dreg:$0x0] =	wrdreg $0x0  }
0xa8: {  	s5 =	sshll.u32 s28, $0x1;
	[dreg:$0x2] =	wrdreg s3  }
0xa9: {  	[dreg:$0x3] =	wrdreg s5  }
0xaa: {  	[dreg:$0x4] =	wrdreg $0xC0  }
0xab: {  	_ =	task [dreg:s7], $0x5FFFF  }
0xac: {  	[dreg:$0x1] =	wrdreg $0xFFFFFFFF  }
0xad: {  	[dreg:$0x0] =	wrdreg $0x60  }
0xae: {  	[dreg:$0x2] =	wrdreg s24  }
0xaf: {  	[dreg:$0x3] =	wrdreg s2  }
0xb0: {  	[dreg:$0x4] =	wrdreg $0x1DA00  }
0xb1: {  	[dreg:$0x5] =	wrdreg $0x9  }
0xb2: {  	_ =	task.clear_ibuf [dreg:s7], $0x6FFFF;
	_ =	strace $0x90000049  }
0xb3: {  	s29 =	simm.s32 $0x9;
	_ =	strace $0x8000004B  }
0xb4: {  	_ =	swait.ge [sflag:s29], $0x1  }
0xb5: {  	[sflag:s29] =	ssyncadd.s32 $0xFFFFFFFF  }
0xb6: {  	_ =	strace $0x9000004B  }
0xb7: {  	_ =	sfence  }
0xb8: {  	s30 =	sld [smem:$0x0];
	_ =	sdelay $0x2  }
0xb9: {  	s31 =	sshll.u32 s1, $0xD;
	s1 =	sshrl.u32 s1, $0x2  }
0xba: {  	s3 =	sand.u32 $0x4000, s31;
	s1 =	sadd.s32 s1, s30  }
0xbb: {  	s0 =	sor.u32 s3, s0;
	s1 =	sshll.u32 s1, $0x11  }
0xbc: {  	s0 =	sor.u32 s1, s0  }
0xbd: {  	s0 =	sadd.s32 $0x8F2B, s0  }
0xbe: {  	[sflag:s0] =	ssyncadd.remote.s32 $0x1  }
0xbf: {  	_ =	sfence.sel $0xFFFF  }
0xc0: {  	[dreg:$0x0] =	wrdreg $0xFFFFFFFF;
	(pc) =	sbr.abs _section_cstart, $3  }
0xc1: {  	[dreg:$0x1] =	wrdreg $0xFFFFFFFF  }
0xc2: {  	_ =	task.clear_ibuf [dreg:s7], $0x2FFFF;
	_ =	strace $0x9FFFFFFF  }
0xc3: {  	(tm) =	ssettm $0x7FFFFFFF  }
tec
execute0_lowered:
.L_overlay_start_1:
0x0: {  	(tag) =	ssettag $0x1  }
0x1: {  	s0 =	rddreg [dreg:$0x0]  }
0x2: {  	s2 =	rddreg [dreg:$0x1];
	s1 =	srdreg.scid  }
0x3: {  	s12 =	stileid.u32;
	s3 =	rddreg [dreg:$0x2]  }
0x4: {  	s4 =	simm.s32 $0x0;
	s13 =	simm.s32 $0xFA0;
	s8 =	smul.u32 $0x5000, s12  }
0x5: {  	s1 =	sand.u32 $0x1, s1;
	[smem:$0x7FF] =	sst s4;
	s10 =	smul.u32 $0x14000, s12  }
0x6: {  	s5 =	sadd.s32 $0x2400, s0;
	s6 =	smul.u32 $0x50000, s1;
	_ =	strace $0x8000004A  }
0x7: {  	s16 =	ssub.s32 $0x2, s1;
	s1 =	sshll.u32 s1, $0x4;
	s10 =	sshrl.u32 s10, $0x2  }
0x8: {  	s11 =	sshrl.u32 s16, $0x1;
	s1 =	sor.u32 s12, s1;
	s10 =	sadd.s32 s10, s3  }
0x9: {  	s12 =	simm.s32 $0x2;
	s7 =	sadd.s32 s8, s6;
	s17 =	sadd.s32 $0x400, s10  }
0xa: {  	s6 =	sadd.s32 $0x41E00, s0;
	s18 =	sadd.s32 $0x800, s10;
	[dreg:$0x4] =	wrdreg s17  }
0xb: {  	s8 =	sadd.s32 s8, s3;
	s19 =	sadd.s32 $0xC00, s10;
	[dreg:$0x5] =	wrdreg s18  }
0xc: {  	s29 =	smul.u32 $0x4E20, s1;
	s20 =	sadd.s32 $0x1000, s10;
	[dreg:$0x6] =	wrdreg s19  }
0xd: {  	s1 =	simm.s32 $0x19A0;
	s21 =	sadd.s32 $0x1400, s10;
	[dreg:$0x7] =	wrdreg s20  }
0xe: {  	s9 =	sshrl.u32 s7, $0x3;
	s22 =	sadd.s32 $0x1800, s10;
	[dreg:$0x8] =	wrdreg s21  }
0xf: {  	s7 =	sadd.s32 $0x2E400, s0;
	s23 =	sadd.s32 $0x1C00, s10;
	[dreg:$0x9] =	wrdreg s22  }
0x10: {  	s24 =	sadd.s32 $0x2000, s10;
	s25 =	sadd.s32 $0x2400, s10;
	[dreg:$0xa] =	wrdreg s23  }
0x11: {  	s26 =	sadd.s32 $0x2800, s10;
	s28 =	sadd.s32 $0x4C00, s10;
	[dreg:$0xb] =	wrdreg s24  }
0x12: {  	s0 =	sadd.s32 s9, s0;
	s9 =	ssub.s32 s16, s11;
	[dreg:$0xc] =	wrdreg s25  }
0x13: {  	[dreg:$0xd] =	wrdreg s26;
	s19 =	sadd.s32 $0x2C00, s10;
	s20 =	sadd.s32 $0x3000, s10  }
0x14: {  	s21 =	sadd.s32 $0x3400, s10;
	s22 =	sadd.s32 $0x3800, s10;
	s23 =	sadd.s32 $0x3C00, s10  }
0x15: {  	s24 =	sadd.s32 $0x4000, s10;
	s25 =	sadd.s32 $0x4400, s10;
	s26 =	sadd.s32 $0x4800, s10  }
0x16: {  	v0 =	vimm.f32 $0.0e+00;
	s10 =	simm.s32 $0xA0;
	s11 =	simm.s32 $0x1;
	s30 =	sadd.s32 $0xC200, s0  }
0x17: {  	v1 =	vimm.s32 $0x1;
	v2 =	vimm.s32 $0x0;
	vm0 =	vmmov $0x1;
	s31 =	smax.u32 s9, $0x1;
	s0 =	simm.s32 $0x3;
	s9 =	simm.s32 $0x50  }
.LBB2_1:
0x18: {  	[tilespmem:$0x19A0] =	vst v0  }
0x19: {  	[tilespmem:$0x19B0] =	vst v0  }
0x1a: {  	[tilespmem:$0x19C0] =	vst v0  }
0x1b: {  	[tilespmem:$0x19D0] =	vst v0  }
0x1c: {  	[tilespmem:$0x19E0] =	vst v0  }
0x1d: {  	[tilespmem:$0x19F0] =	vst v0  }
0x1e: {  	[tilespmem:$0x1A00] =	vst v0  }
0x1f: {  	[tilespmem:$0x1A10] =	vst v0  }
0x20: {  	[tilespmem:$0x1A20] =	vst v0  }
0x21: {  	[tilespmem:$0x1A30] =	vst v0  }
0x22: {  	[tilespmem:$0x1A40] =	vst v0  }
0x23: {  	[tilespmem:$0x1A50] =	vst v0  }
0x24: {  	[tilespmem:$0x1A60] =	vst v0  }
0x25: {  	[tilespmem:$0x1A70] =	vst v0  }
0x26: {  	[tilespmem:$0x1A80] =	vst v0  }
0x27: {  	[tilespmem:$0x1A90] =	vst v0  }
0x28: {  	[tilespmem:$0x1AA0] =	vst v0  }
0x29: {  	[tilespmem:$0x1AB0] =	vst v0  }
0x2a: {  	[tilespmem:$0x1AC0] =	vst v0  }
0x2b: {  	[tilespmem:$0x1AD0] =	vst v0  }
0x2c: {  	[tilespmem:$0x1AE0] =	vst v0  }
0x2d: {  	[tilespmem:$0x1AF0] =	vst v0  }
0x2e: {  	[tilespmem:$0x1B00] =	vst v0  }
0x2f: {  	[tilespmem:$0x1B10] =	vst v0  }
0x30: {  	[tilespmem:$0x1B20] =	vst v0  }
0x31: {  	[tilespmem:$0x1B30] =	vst v0  }
0x32: {  	[tilespmem:$0x1B40] =	vst v0  }
0x33: {  	[tilespmem:$0x1B50] =	vst v0  }
0x34: {  	[tilespmem:$0x1B60] =	vst v0  }
0x35: {  	[tilespmem:$0x1B70] =	vst v0  }
0x36: {  	[tilespmem:$0x1B80] =	vst v0  }
0x37: {  	[tilespmem:$0x1B90] =	vst v0  }
0x38: {  	[tilespmem:$0x1BA0] =	vst v0  }
0x39: {  	[tilespmem:$0x1BB0] =	vst v0  }
0x3a: {  	[tilespmem:$0x1BC0] =	vst v0  }
0x3b: {  	[tilespmem:$0x1BD0] =	vst v0  }
0x3c: {  	[tilespmem:$0x1BE0] =	vst v0  }
0x3d: {  	[tilespmem:$0x1BF0] =	vst v0  }
0x3e: {  	[tilespmem:$0x1C00] =	vst v0  }
0x3f: {  	[tilespmem:$0x1C10] =	vst v0  }
0x40: {  	[tilespmem:$0x1C20] =	vst v0  }
0x41: {  	[tilespmem:$0x1C30] =	vst v0  }
0x42: {  	[tilespmem:$0x1C40] =	vst v0  }
0x43: {  	[tilespmem:$0x1C50] =	vst v0  }
0x44: {  	[tilespmem:$0x1C60] =	vst v0  }
0x45: {  	[tilespmem:$0x1C70] =	vst v0  }
0x46: {  	[tilespmem:$0x1C80] =	vst v0  }
0x47: {  	[tilespmem:$0x1C90] =	vst v0  }
0x48: {  	[tilespmem:$0x1CA0] =	vst v0  }
0x49: {  	[tilespmem:$0x1CB0] =	vst v0  }
0x4a: {  	[tilespmem:$0x1CC0] =	vst v0  }
0x4b: {  	[tilespmem:$0x1CD0] =	vst v0  }
0x4c: {  	[tilespmem:$0x1CE0] =	vst v0  }
0x4d: {  	[tilespmem:$0x1CF0] =	vst v0  }
0x4e: {  	[tilespmem:$0x1D00] =	vst v0  }
0x4f: {  	[tilespmem:$0x1D10] =	vst v0  }
0x50: {  	[tilespmem:$0x1D20] =	vst v0  }
0x51: {  	[tilespmem:$0x1D30] =	vst v0  }
0x52: {  	[tilespmem:$0x1D40] =	vst v0  }
0x53: {  	[tilespmem:$0x1D50] =	vst v0  }
0x54: {  	[tilespmem:$0x1D60] =	vst v0  }
0x55: {  	[tilespmem:$0x1D70] =	vst v0  }
0x56: {  	[tilespmem:$0x1D80] =	vst v0  }
0x57: {  	[tilespmem:$0x1D90] =	vst v0  }
0x58: {  	[spmem:s8] =	stream.linear.scatter [tilespmem:s1], [sflag:$0x3], $0x400, $0x38;
	[tilespmem:$0x6DA0] =	vst v63  }
0x59: {  	_ =	swait.ge [sflag:s0], $0x400  }
0x5a: {  	[sflag:s0] =	ssyncset.done $0x0  }
0x5b: {  	s14 =	rddreg [dreg:$0x4];
	[sflag:s0] =	ssyncadd.s32 $0xFFFFFC00  }
0x5c: {  	[spmem:s14] =	stream.linear.scatter [tilespmem:s1], [sflag:$0x3], $0x400, $0x38;
	[tilespmem:$0x6DA0] =	vst v63  }
0x5d: {  	_ =	swait.ge [sflag:s0], $0x400  }
0x5e: {  	[sflag:s0] =	ssyncset.done $0x0  }
0x5f: {  	s18 =	rddreg [dreg:$0x5];
	[sflag:s0] =	ssyncadd.s32 $0xFFFFFC00  }
0x60: {  	[spmem:s18] =	stream.linear.scatter [tilespmem:s1], [sflag:$0x3], $0x400, $0x38;
	[tilespmem:$0x6DA0] =	vst v63  }
0x61: {  	_ =	swait.ge [sflag:s0], $0x400  }
0x62: {  	[sflag:s0] =	ssyncset.done $0x0  }
0x63: {  	s15 =	rddreg [dreg:$0x6];
	[sflag:s0] =	ssyncadd.s32 $0xFFFFFC00  }
0x64: {  	[spmem:s15] =	stream.linear.scatter [tilespmem:s1], [sflag:$0x3], $0x400, $0x38;
	[tilespmem:$0x6DA0] =	vst v63  }
0x65: {  	_ =	swait.ge [sflag:s0], $0x400  }
0x66: {  	[sflag:s0] =	ssyncset.done $0x0  }
0x67: {  	s16 =	rddreg [dreg:$0x7];
	[sflag:s0] =	ssyncadd.s32 $0xFFFFFC00  }
0x68: {  	[spmem:s16] =	stream.linear.scatter [tilespmem:s1], [sflag:$0x3], $0x400, $0x38;
	[tilespmem:$0x6DA0] =	vst v63  }
0x69: {  	_ =	swait.ge [sflag:s0], $0x400  }
0x6a: {  	[sflag:s0] =	ssyncset.done $0x0  }
0x6b: {  	s17 =	rddreg [dreg:$0x8];
	[sflag:s0] =	ssyncadd.s32 $0xFFFFFC00  }
0x6c: {  	[spmem:s17] =	stream.linear.scatter [tilespmem:s1], [sflag:$0x3], $0x400, $0x38;
	[tilespmem:$0x6DA0] =	vst v63  }
0x6d: {  	_ =	swait.ge [sflag:s0], $0x400  }
0x6e: {  	[sflag:s0] =	ssyncset.done $0x0  }
0x6f: {  	s18 =	rddreg [dreg:$0x9];
	[sflag:s0] =	ssyncadd.s32 $0xFFFFFC00  }
0x70: {  	[spmem:s18] =	stream.linear.scatter [tilespmem:s1], [sflag:$0x3], $0x400, $0x38;
	[tilespmem:$0x6DA0] =	vst v63  }
0x71: {  	_ =	swait.ge [sflag:s0], $0x400  }
0x72: {  	[sflag:s0] =	ssyncset.done $0x0  }
0x73: {  	s15 =	rddreg [dreg:$0xa];
	[sflag:s0] =	ssyncadd.s32 $0xFFFFFC00  }
0x74: {  	[spmem:s15] =	stream.linear.scatter [tilespmem:s1], [sflag:$0x3], $0x400, $0x38;
	[tilespmem:$0x6DA0] =	vst v63  }
0x75: {  	_ =	swait.ge [sflag:s0], $0x400  }
0x76: {  	[sflag:s0] =	ssyncset.done $0x0  }
0x77: {  	s16 =	rddreg [dreg:$0xb];
	[sflag:s0] =	ssyncadd.s32 $0xFFFFFC00  }
0x78: {  	[spmem:s16] =	stream.linear.scatter [tilespmem:s1], [sflag:$0x3], $0x400, $0x38;
	[tilespmem:$0x6DA0] =	vst v63  }
0x79: {  	_ =	swait.ge [sflag:s0], $0x400  }
0x7a: {  	[sflag:s0] =	ssyncset.done $0x0  }
0x7b: {  	s17 =	rddreg [dreg:$0xc];
	[sflag:s0] =	ssyncadd.s32 $0xFFFFFC00  }
0x7c: {  	[spmem:s17] =	stream.linear.scatter [tilespmem:s1], [sflag:$0x3], $0x400, $0x38;
	[tilespmem:$0x6DA0] =	vst v63  }
0x7d: {  	_ =	swait.ge [sflag:s0], $0x400  }
0x7e: {  	[sflag:s0] =	ssyncset.done $0x0  }
0x7f: {  	s18 =	rddreg [dreg:$0xd];
	[sflag:s0] =	ssyncadd.s32 $0xFFFFFC00  }
0x80: {  	[spmem:s18] =	stream.linear.scatter [tilespmem:s1], [sflag:$0x3], $0x400, $0x38;
	[tilespmem:$0x6DA0] =	vst v63  }
0x81: {  	_ =	swait.ge [sflag:s0], $0x400  }
0x82: {  	[sflag:s0] =	ssyncset.done $0x0  }
0x83: {  	[sflag:s0] =	ssyncadd.s32 $0xFFFFFC00  }
0x84: {  	[spmem:s19] =	stream.linear.scatter [tilespmem:s1], [sflag:$0x3], $0x400, $0x38;
	[tilespmem:$0x6DA0] =	vst v63  }
0x85: {  	_ =	swait.ge [sflag:s0], $0x400  }
0x86: {  	[sflag:s0] =	ssyncset.done $0x0  }
0x87: {  	[sflag:s0] =	ssyncadd.s32 $0xFFFFFC00  }
0x88: {  	[spmem:s20] =	stream.linear.scatter [tilespmem:s1], [sflag:$0x3], $0x400, $0x38;
	[tilespmem:$0x6DA0] =	vst v63  }
0x89: {  	_ =	swait.ge [sflag:s0], $0x400  }
0x8a: {  	[sflag:s0] =	ssyncset.done $0x0  }
0x8b: {  	[sflag:s0] =	ssyncadd.s32 $0xFFFFFC00  }
0x8c: {  	[spmem:s21] =	stream.linear.scatter [tilespmem:s1], [sflag:$0x3], $0x400, $0x38;
	[tilespmem:$0x6DA0] =	vst v63  }
0x8d: {  	_ =	swait.ge [sflag:s0], $0x400  }
0x8e: {  	[sflag:s0] =	ssyncset.done $0x0  }
0x8f: {  	[sflag:s0] =	ssyncadd.s32 $0xFFFFFC00  }
0x90: {  	[spmem:s22] =	stream.linear.scatter [tilespmem:s1], [sflag:$0x3], $0x400, $0x38;
	[tilespmem:$0x6DA0] =	vst v63  }
0x91: {  	_ =	swait.ge [sflag:s0], $0x400  }
0x92: {  	[sflag:s0] =	ssyncset.done $0x0  }
0x93: {  	[sflag:s0] =	ssyncadd.s32 $0xFFFFFC00  }
0x94: {  	[spmem:s23] =	stream.linear.scatter [tilespmem:s1], [sflag:$0x3], $0x400, $0x38;
	[tilespmem:$0x6DA0] =	vst v63  }
0x95: {  	_ =	swait.ge [sflag:s0], $0x400  }
0x96: {  	[sflag:s0] =	ssyncset.done $0x0  }
0x97: {  	[sflag:s0] =	ssyncadd.s32 $0xFFFFFC00  }
0x98: {  	[spmem:s24] =	stream.linear.scatter [tilespmem:s1], [sflag:$0x3], $0x400, $0x38;
	[tilespmem:$0x6DA0] =	vst v63  }
0x99: {  	_ =	swait.ge [sflag:s0], $0x400  }
0x9a: {  	[sflag:s0] =	ssyncset.done $0x0  }
0x9b: {  	[sflag:s0] =	ssyncadd.s32 $0xFFFFFC00  }
0x9c: {  	[spmem:s25] =	stream.linear.scatter [tilespmem:s1], [sflag:$0x3], $0x400, $0x38;
	[tilespmem:$0x6DA0] =	vst v63  }
0x9d: {  	_ =	swait.ge [sflag:s0], $0x400  }
0x9e: {  	[sflag:s0] =	ssyncset.done $0x0  }
0x9f: {  	[sflag:s0] =	ssyncadd.s32 $0xFFFFFC00  }
0xa0: {  	[spmem:s26] =	stream.linear.scatter [tilespmem:s1], [sflag:$0x3], $0x400, $0x38;
	[tilespmem:$0x6DA0] =	vst v63  }
0xa1: {  	_ =	swait.ge [sflag:s0], $0x400  }
0xa2: {  	[sflag:s0] =	ssyncset.done $0x0  }
0xa3: {  	[sflag:s0] =	ssyncadd.s32 $0xFFFFFC00  }
0xa4: {  	[spmem:s28] =	stream.linear.scatter [tilespmem:s1], [sflag:$0x3], $0x400, $0x38;
	[tilespmem:$0x6DA0] =	vst v63  }
0xa5: {  	_ =	swait.ge [sflag:s0], $0x400  }
0xa6: {  	[sflag:s0] =	ssyncset.done $0x0  }
0xa7: {  	[sflag:s0] =	ssyncadd.s32 $0xFFFFFC00  }
0xa8: {  	s14 =	simm.s32 $0x0;
	[bflag:$0x0] =	sbarrier.arrive $0xFFFF  }
.LBB2_2:
0xa9: {  	s15 =	smul.u32 $0x50, s14;
	_ =	sdelay $0x1  }
0xaa: {  	s15 =	sadd.s32 s29, s15  }
0xab: {  	s15 =	sshrl.u32 s15, $0x3  }
0xac: {  	s17 =	simm.s32 $0x0;
	s16 =	sadd.s32 s6, s15  }
0xad: {  	[tilespmem:s17], [sflag:$0x3] =	stream.linear.gather [hbm4b:s16+s17], $0x50, $0x38;
	[tilespmem:$0x6DA0] =	vst v63  }
0xae: {  	_ =	swait.ge [sflag:s0], $0x50  }
0xaf: {  	[sflag:s0] =	ssyncset.done $0x0  }
0xb0: {  	s15 =	sadd.s32 s7, s15;
	[sflag:s0] =	ssyncadd.s32 $0xFFFFFFB0  }
0xb1: {  	[tilespmem:s9], [sflag:$0x3] =	stream.linear.gather [hbm4b:s15+s17], $0x50, $0x38;
	[tilespmem:$0x6DA0] =	vst v63  }
0xb2: {  	_ =	swait.ge [sflag:s0], $0x50  }
0xb3: {  	[sflag:s0] =	ssyncset.done $0x0  }
0xb4: {  	[sflag:s0] =	ssyncadd.s32 $0xFFFFFFB0  }
0xb5: {  	[tilespmem:s10], [sflag:$0x1] =	stream.indirect.gather [hbm4b:s5+s9], $0x20, s17, s9, $0xb8;
	[tilespmem:$0x6DA0] =	vst v63  }
0xb6: {  	s16 =	simm.s32 $0xAA0  }
0xb7: {  	[tilespmem:s16], [sflag:$0x2] =	stream.indirect.gather [hbm4b:s2+s9], $0x10, s9, s9, $0xb8;
	[tilespmem:$0x6DA0] =	vst v63  }
0xb8: {  	_ =	swait.ge [sflag:s11], $0xA00  }
0xb9: {  	[sflag:s11] =	ssyncset.done $0x0  }
0xba: {  	[sflag:s11] =	ssyncadd.s32 $0xFFFFF600  }
0xbb: {  	_ =	swait.ge [sflag:s12], $0x500  }
0xbc: {  	[sflag:s12] =	ssyncset.done $0x0  }
0xbd: {  	s15 =	simm.s32 $0x0;
	[sflag:s12] =	ssyncadd.s32 $0xFFFFFB00  }
0xbe: {  	s17 =	simm.s32 $0x80;
	v3 =	vld [tilespmem:s15+$0xB0]  }
.LBB2_3:
0xbf: {  	p0 =	sne.s32 s17, $0x2780;
	v4 =	vld [tilespmem:s16+$0x0];
	_ =	sdelay $0x4  }
0xc0: {  	v3 =	vadd.f32 v4, v3;
	_ =	sdelay $0x1  }
0xc1: {  	v5 =	vmul.f32 $2.000000030e-01, v3  }
0xc2: {  	v4 =	vperm.xlane v4, v1  }
0xc3: {  	v3 =	vmax.f32 v3, v5  }
0xc4: {  	v3 =	vsub.f32 v3, v4;
	_ =	sdelay $0x1  }
0xc5: {  	v3 =	vmul.f32 $1.442695020e+00, v3;
	_ =	sdelay $0x1  }
0xc6: {  	(erf) = vpow2.f32 v3;
	_ =	sdelay $0x6  }
0xc7: {  	v3 =	vld [tilespmem:s15+$0xA0];
	_ =	sdelay $0x1  }
0xc8: {  	v4 =	vpop (erf)  }
.Ltmp0:
0xc9: {  	v4 =	vperm.xlane v4, v2;
	(pc) =	sbr.rel @p0 .LBB2_3-.Ltmp0, $4  }
0xca: {  	_ = 	snop  }
0xcb: {  	v5 =	vmul.f32 v4, v3;
	v3 =	vnsel vm0, $0x0, v4  }
0xcc: {  	s18 =	sshra.s32 s17, $0x2;
	[tilespmem:s15+$0xFB0] =	vst v3  }
0xcd: {  	s17 =	sadd.s32 $0x80, s17;
	s16 =	sadd.s32 $0x10, s16;
	v3 =	vld [tilespmem:s18+$0xB0];
	[tilespmem:s15+$0xFA0] =	vst v5;
	s15 =	smov.u32 s18  }
0xce: {  	v4 =	vld [tilespmem:s16+$0x0];
	_ =	sdelay $0x4  }
0xcf: {  	v3 =	vadd.f32 v4, v3;
	_ =	sdelay $0x1  }
0xd0: {  	v5 =	vmul.f32 $2.000000030e-01, v3  }
0xd1: {  	v4 =	vperm.xlane v4, v1  }
0xd2: {  	v3 =	vmax.f32 v3, v5  }
0xd3: {  	v3 =	vsub.f32 v3, v4;
	_ =	sdelay $0x1  }
0xd4: {  	v3 =	vmul.f32 $1.442695020e+00, v3;
	_ =	sdelay $0x1  }
0xd5: {  	(erf) = vpow2.f32 v3;
	_ =	sdelay $0x6  }
0xd6: {  	v3 =	vld [tilespmem:s15+$0xA0];
	_ =	sdelay $0x1  }
0xd7: {  	v63 =	vpop (erf)  }
0xd8: {  	v4 =	vperm.xlane v63, v2;
	_ =	sdelay $0x1  }
0xd9: {  	s14 =	sadd.s32 $0x1, s14;
	v3 =	vmul.f32 v4, v3;
	v4 =	vnsel vm0, $0x0, v4  }
0xda: {  	p0 =	sne.s32 s14, $0xFA;
	[tilespmem:s15+$0xFB0] =	vst v4  }
.Ltmp1:
0xdb: {  	[tilespmem:s15+$0xFA0] =	vst v3;
	(pc) =	sbr.rel @p0 .LBB2_2-.Ltmp1, $4  }
0xdc: {  	[spmem:s3] =	stream.indirect.scatter.add.f32 [tilespmem:s13], [sflag:$0x3], $0x20, s9, s9, $0xb8;
	[tilespmem:$0x6DA0] =	vst v63  }
0xdd: {  	_ =	swait.ge [sflag:s0], $0xA00  }
0xde: {  	[sflag:s0] =	ssyncset.done $0x0  }
0xdf: {  	[sflag:s0] =	ssyncadd.s32 $0xFFFFF600  }
0xe0: {  	s14 =	stileid.u32;
	s4 =	sadd.s32 $0x1, s4  }
0xe1: {  	[bflag:$0x0] =	sbarrier.arrive $0xFFFF;
	s14 =	sshll.u32 s14, $0x6;
	p0 =	sne.s32 s4, s31  }
.Ltmp2:
0xe2: {  	s15 =	sshrl.u32 s8, $0x3;
	s14 =	sor.u32 $0x1C03, s14;
	(pc) =	sbr.rel @p0 .LBB2_1-.Ltmp2, $4  }
0xe3: {  	[hbm:s30], [sflag:s14] =	dma.local [spmem:s15], $0xA00  }
0xe4: {  	_ =	swait.ge [sflag:s0], $0xA00  }
0xe5: {  	[sflag:s0] =	ssyncset.done $0x0  }
0xe6: {  	[sflag:s0] =	ssyncadd.s32 $0xFFFFF600  }
0xe7: {  	_ =	sfence.sel $0x180000  }
0xe8: {  	[bflag:$0x0] =	sbarrier.arrive $0xFFFF  }
0xe9: {  	_ =	strace $0x9000004A  }
0xea: {  	s0 =	stileid.u32;
	[bflag:$0x2] =	sbarrier.arrive $0xFFFF  }
0xeb: {  	p0 =	sne.s32 s0, $0x0;
	s0 =	rddreg [dreg:$0x3]  }
0xec: {  	s0 =	sadd.s32 @!p0 $0x100000, s0  }
0xed: {  	[sflag:s0] =	ssyncadd.tile.s32 @!p0 $0x1;
	_ =	shalt  }
.Lfunc_end2:
_tile_overlayer_lowered:
.L_overlay_start_2:
0xee: {  	(tag) =	ssettag $0x2  }
0xef: {  	s0 =	rddreg [dreg:$0x0];
	s2 =	stileid.u32  }
0xf0: {  	s1 =	rddreg [dreg:$0x1];
	p0 =	sne.s32 s2, $0x0  }
0xf1: {  	s3 =	rddreg [dreg:$0x2];
	[bflag:$0x3] =	sbarrier.arrive $0xFFFF;
	s2 =	simm.s32 @!p0 $0x1C03  }
0xf2: {  	[timem:s3], [sflag:s2] =	dma.local @!p0 [hbm:s0], s1  }
0xf3: {  	s0 =	simm.s32 @!p0 $0x3  }
0xf4: {  	_ =	swait.ge @!p0 [sflag:s0], s1  }
0xf5: {  	s1 =	ssub.s32 @!p0 $0x0, s1;
	[sflag:s0] =	ssyncset.done @!p0 $0x0  }
0xf6: {  	[sflag:s0] =	ssyncadd.s32 @!p0 s1  }
0xf7: {  	[bflag:$0x3] =	sbarrier.arrive $0xFFFF  }
0xf8: {  	_ =	shalt  }

// kernel: kernel.7.cloned.1.call-start
scs
__scs_entry_jumppad:
0x0: {  	(pc) =	sbr.rel $0x88, $3  }
0x1: {  	(tag) =	ssettag $0x0;
	lr =	simm.s32 $0x1  }
0x2: {  	[smem:$0x3F97] =	sst lr;
	_ =	strace $0xD0000000  }
0x3: {  	_ = 	snop  }
0x4: {  	_ = 	snop  }
0x5: {  	_ = 	snop  }
0x6: {  	_ = 	snop  }
0x7: {  	_ = 	snop  }
__scs_overlays_trampoline_lowered:
0x8: {  	[smem:$0x3FA6] =	sst s0  }
0x9: {  	[smem:$0x3FA7] =	sst s1  }
0xa: {  	[smem:$0x3FA8] =	sst s2  }
0xb: {  	[smem:$0x3FA9] =	sst s3  }
0xc: {  	[smem:$0x3FAA] =	sst s4  }
0xd: {  	[smem:$0x3FAB] =	sst s5  }
0xe: {  	[smem:$0x3FAC] =	sst s6  }
0xf: {  	[smem:$0x3FAD] =	sst s7  }
0x10: {  	[smem:$0x3FAE] =	sst s8  }
0x11: {  	[smem:$0x3FAF] =	sst s9;
	s0 =	simm.s32 @!p0 $0x0  }
0x12: {  	s1 =	sld [smem:$0x3F95];
	s0 =	simm.s32 @p0 $0x1  }
0x13: {  	[smem:$0x3FB0] =	sst s0;
	s0 =	simm.s32 @!p1 $0x0  }
0x14: {  	s2 =	sld [smem:$0x3F94];
	s0 =	simm.s32 @p1 $0x1  }
0x15: {  	[smem:$0x3FB1] =	sst s0;
	s0 =	simm.s32 @!p2 $0x0  }
0x16: {  	s3 =	sld [smem:$0x3FDB];
	s0 =	simm.s32 @p2 $0x1  }
0x17: {  	s4 =	simm.s32 $0x1BF5;
	[smem:$0x3FB3] =	sst s0  }
0x18: {  	s0 =	sld [smem:$0x3F96];
	_ =	swait.ge [sflag:s4], $0x0  }
0x19: {  	s7 =	sld [smem:$0x3F97]  }
0x1a: {  	s8 =	sadd.s32 $0xFFFFE003, lr  }
0x1b: {  	s9 =	sadd.s32 $0xFFFFFEF7, lr;
	s5 =	simm.s32 $0xFFFFFFFF;
	p2 =	slt.u32 s8, $0xFFFFF086  }
0x1c: {  	p1 =	slt.u32 s9, $0xF7A;
	s5 =	simm.s32 @!p2 $0x0  }
0x1d: {  	s5 =	simm.s32 @p1 $0x1;
	p0 =	seq.s32 s7, s2  }
0x1e: {  	s7 =	smul.u32 @!p0 $0xF7A, s2;
	p2 =	seq.s32 @!p0 s5, $0x0  }
0x1f: {  	s9 =	smul.u32 $0xF7A, s1;
	s8 =	simm.s32 @!p0 $0x1BF5;
	p2 =	por !p2, p0  }
0x20: {  	[sflag:s8] =	ssyncset.s32 @!p0 $0xFFFFF086;
	s6 =	sadd.s32 @!p0 s3, s7;
	s7 =	simm.s32 @!p0 $0x108  }
0x21: {  	s3 =	sadd.s32 s3, s9;
	s6 =	sadd.s32 @!p0 $0x88, s6;
	s7 =	simm.s32 @p2 $0x1082  }
0x22: {  	[simem:s7], [sflag:s8] =	dma.local @!p0 [hbm:s6], $0xF7A  }
0x23: {  	s9 =	sor.u32 $0xD0000000, s2;
	s6 =	simm.s32 $0x108;
	_ =	swait.ge @!p0 [sflag:s8], $0x0  }
0x24: {  	s3 =	sadd.s32 $0x88, s3;
	s6 =	simm.s32 @!p1 $0x1082;
	[sflag:s4] =	ssyncset.s32 $0xFFFFF086  }
0x25: {  	[simem:s6], [sflag:s4] =	dma.local [hbm:s3], $0xF7A  }
0x26: {  	[smem:$0x3F97] =	sst s1;
	(tag) =	ssettag s2;
	_ =	strace s9  }
0x27: {  	s1 =	sld [smem:$0x3FA7]  }
0x28: {  	s2 =	sld [smem:$0x3FA8]  }
0x29: {  	s4 =	sld [smem:$0x3FAA]  }
0x2a: {  	p0 =	seq.s32 s5, $0x0;
	s5 =	sld [smem:$0x3FAB]  }
0x2b: {  	s6 =	sld [smem:$0x3FAC]  }
0x2c: {  	s7 =	sld [smem:$0x3FAD]  }
0x2d: {  	s3 =	simm.s32 $0x108;
	s8 =	sld [smem:$0x3FAE]  }
0x2e: {  	s3 =	simm.s32 @!p0 $0x1082;
	s9 =	sld [smem:$0x3FAF]  }
0x2f: {  	lr =	sadd.s32 s0, s3;
	s0 =	sld [smem:$0x3FA6]  }
0x30: {  	s3 =	sld [smem:$0x3FA9]  }
0x31: {  	[smem:$0x3FB2] =	sst s10  }
0x32: {  	s10 =	sld [smem:$0x3FB0];
	_ =	sdelay $0x3  }
0x33: {  	p0 =	seq.s32 s10, $0x1;
	s10 =	sld [smem:$0x3FB2];
	_ =	sdelay $0x3  }
0x34: {  	[smem:$0x3FB2] =	sst s10  }
0x35: {  	s10 =	sld [smem:$0x3FB1];
	_ =	sdelay $0x3  }
0x36: {  	p1 =	seq.s32 s10, $0x1;
	s10 =	sld [smem:$0x3FB2];
	_ =	sdelay $0x3  }
0x37: {  	[smem:$0x3FB2] =	sst s10  }
0x38: {  	s10 =	sld [smem:$0x3FB3]  }
0x39: {  	_ = 	snop;
	(pc) =	sbr.ind lr, $3  }
0x3a: {  	_ = 	snop  }
0x3b: {  	_ = 	snop  }
0x3c: {  	p2 =	seq.s32 s10, $0x1;
	s10 =	sld [smem:$0x3FB2]  }
0x3d: {  	_ =	shalt  }
0x3e: {  	_ =	shalt  }
0x3f: {  	_ =	shalt  }
0x40: {  	_ =	shalt  }
0x41: {  	_ =	shalt  }
0x42: {  	_ =	shalt  }
0x43: {  	_ =	shalt  }
0x44: {  	_ =	shalt  }
0x45: {  	_ =	shalt  }
0x46: {  	_ =	shalt  }
0x47: {  	_ =	shalt  }
0x48: {  	_ =	shalt  }
0x49: {  	_ =	shalt  }
0x4a: {  	_ =	shalt  }
0x4b: {  	_ =	shalt  }
0x4c: {  	_ =	shalt  }
0x4d: {  	_ =	shalt  }
0x4e: {  	_ =	shalt  }
0x4f: {  	_ =	shalt  }
0x50: {  	_ =	shalt  }
0x51: {  	_ =	shalt  }
0x52: {  	_ =	shalt  }
0x53: {  	_ =	shalt  }
0x54: {  	_ =	shalt  }
0x55: {  	_ =	shalt  }
0x56: {  	_ =	shalt  }
0x57: {  	_ =	shalt  }
0x58: {  	_ =	shalt  }
0x59: {  	_ =	shalt  }
0x5a: {  	_ =	shalt  }
0x5b: {  	_ =	shalt  }
0x5c: {  	_ =	shalt  }
0x5d: {  	_ =	shalt  }
0x5e: {  	_ =	shalt  }
0x5f: {  	_ =	shalt  }
0x60: {  	_ =	shalt  }
0x61: {  	_ =	shalt  }
0x62: {  	_ =	shalt  }
0x63: {  	_ =	shalt  }
0x64: {  	_ =	shalt  }
0x65: {  	_ =	shalt  }
0x66: {  	_ =	shalt  }
0x67: {  	_ =	shalt  }
0x68: {  	_ =	shalt  }
0x69: {  	_ =	shalt  }
0x6a: {  	_ =	shalt  }
0x6b: {  	_ =	shalt  }
0x6c: {  	_ =	shalt  }
0x6d: {  	_ =	shalt  }
0x6e: {  	_ =	shalt  }
0x6f: {  	_ =	shalt  }
0x70: {  	_ =	shalt  }
0x71: {  	_ =	shalt  }
0x72: {  	_ =	shalt  }
0x73: {  	_ =	shalt  }
0x74: {  	_ =	shalt  }
0x75: {  	_ =	shalt  }
0x76: {  	_ =	shalt  }
0x77: {  	_ =	shalt  }
0x78: {  	_ =	shalt  }
0x79: {  	_ =	shalt  }
0x7a: {  	_ =	shalt  }
0x7b: {  	_ =	shalt  }
0x7c: {  	_ =	shalt  }
0x7d: {  	_ =	shalt  }
0x7e: {  	_ =	shalt  }
0x7f: {  	_ =	shalt  }
0x80: {  	_ =	shalt  }
0x81: {  	_ =	shalt  }
0x82: {  	_ =	shalt  }
0x83: {  	_ =	shalt  }
0x84: {  	_ =	shalt  }
0x85: {  	_ =	shalt  }
0x86: {  	_ =	shalt  }
0x87: {  	_ =	shalt  }
.Lfunc_end0:
.L_simem_size_0:
called_computation_lowered:
.L_overlay_start_0:
0x88: {  	s2 =	sld [smem:$0x3FD9]  }
0x89: {  	s3 =	sld [smem:$0x3FFE];
	_ =	sdelay $0x1  }
0x8a: {  	s1 =	srdreg.scid  }
0x8b: {  	s0 =	sand.u32 $0x1, s1  }
0x8c: {  	s17 =	sshll.u32 s0, $0xA;
	s2 =	sadd.s32 s3, s2  }
0x8d: {  	s2 =	sadd.s32 s2, s17  }
0x8e: {  	[smem:$0x3FBE] =	sst s2  }
0x8f: {  	_ = 	snop  }
0x90: {  	s2 =	sld [smem:$0x3FD0];
	(tm) =	ssettm $0x1  }
0x91: {  	s18 =	sld [smem:$0x3FFB];
	_ =	sdelay $0x3  }
0x92: {  	_ =	strace s18  }
0x93: {  	s3 =	sld [smem:$0x3FFC];
	_ =	sdelay $0x3  }
0x94: {  	_ =	strace s3  }
0x95: {  	s3 =	sld [smem:$0x3FFD];
	_ =	sdelay $0x3  }
0x96: {  	_ =	strace s3  }
0x97: {  	_ =	strace $0x8FFFFFFF  }
0x98: {  	s19 =	sld [smem:$0x3FDB];
	_ =	sdelay $0x1  }
0x99: {  	s4 =	simm.s32 $_scs_section_size  }
0x9a: {  	s5 =	simm.s32 $_size__tile_overlayer_lowered;
	s6 =	simm.s32 $_tile_overlayer_lowered  }
0x9b: {  	s22 =	simm.s32 $0x1BFF;
	s21 =	sshll.u32 s6, $0x1;
	s3 =	sadd.s32 s4, s19  }
0x9c: {  	s7 =	simm.s32 $0x0;
	s20 =	sshll.u32 s5, $0x1;
	s5 =	sadd.s32 s21, s3  }
0x9d: {  	[timem:s7], [sflag:s22] =	dma.local [hbm:s5], s20  }
0x9e: {  	_ =	swait.ge [sflag:s22], s20  }
0x9f: {  	s4 =	ssub.s32 $0x0, s20;
	[sflag:s22] =	ssyncset.done $0x0  }
0xa0: {  	[sflag:s22] =	ssyncadd.s32 s4;
	_ =	sdelay $0x1  }
0xa1: {  	s23 =	simm.s32 $0x1B8B  }
0xa2: {  	_ =	swait.ge [sflag:s23], $0x1  }
0xa3: {  	[sflag:s23] =	ssyncset.done $0x0  }
0xa4: {  	s25 =	simm.s32 $0x1B8E;
	s24 =	sld [smem:$0x3FFE];
	[sflag:s23] =	ssyncadd.s32 $0xFFFFFFFF  }
0xa5: {  	s26 =	simm.s32 $execute0_lowered;
	[smem:$0x3FD2] =	sst s25  }
0xa6: {  	s5 =	sshll.u32 s26, $0x1;
	_ =	strace $0x80000046;
	[dreg:$0x1] =	wrdreg $0xFFFFFFFF  }
0xa7: {  	s28 =	simm.s32 $_size_execute0_lowered;
	s3 =	sadd.s32 s3, s5;
	[dreg:$0x0] =	wrdreg $0x0  }
0xa8: {  	s5 =	sshll.u32 s28, $0x1;
	[dreg:$0x2] =	wrdreg s3  }
0xa9: {  	[dreg:$0x3] =	wrdreg s5  }
0xaa: {  	[dreg:$0x4] =	wrdreg $0xC0  }
0xab: {  	_ =	task [dreg:s7], $0x5FFFF  }
0xac: {  	[dreg:$0x1] =	wrdreg $0xFFFFFFFF  }
0xad: {  	[dreg:$0x0] =	wrdreg $0x60  }
0xae: {  	[dreg:$0x2] =	wrdreg s24  }
0xaf: {  	[dreg:$0x3] =	wrdreg s2  }
0xb0: {  	[dreg:$0x4] =	wrdreg $0x71A00  }
0xb1: {  	[dreg:$0x5] =	wrdreg $0x9  }
0xb2: {  	_ =	task.clear_ibuf [dreg:s7], $0x6FFFF;
	_ =	strace $0x90000046  }
0xb3: {  	s29 =	simm.s32 $0x9;
	_ =	strace $0x80000048  }
0xb4: {  	_ =	swait.ge [sflag:s29], $0x1  }
0xb5: {  	[sflag:s29] =	ssyncadd.s32 $0xFFFFFFFF  }
0xb6: {  	_ =	strace $0x90000048  }
0xb7: {  	_ =	sfence  }
0xb8: {  	s30 =	sld [smem:$0x0];
	_ =	sdelay $0x2  }
0xb9: {  	s31 =	sshll.u32 s1, $0xD;
	s1 =	sshrl.u32 s1, $0x2  }
0xba: {  	s3 =	sand.u32 $0x4000, s31;
	s1 =	sadd.s32 s1, s30  }
0xbb: {  	s0 =	sor.u32 s3, s0;
	s1 =	sshll.u32 s1, $0x11  }
0xbc: {  	s0 =	sor.u32 s1, s0  }
0xbd: {  	s0 =	sadd.s32 $0x8F2B, s0  }
0xbe: {  	[sflag:s0] =	ssyncadd.remote.s32 $0x1  }
0xbf: {  	_ =	sfence.sel $0xFFFF  }
0xc0: {  	[dreg:$0x0] =	wrdreg $0xFFFFFFFF;
	(pc) =	sbr.abs _section_cstart, $3  }
0xc1: {  	[dreg:$0x1] =	wrdreg $0xFFFFFFFF  }
0xc2: {  	_ =	task.clear_ibuf [dreg:s7], $0x2FFFF;
	_ =	strace $0x9FFFFFFF  }
0xc3: {  	(tm) =	ssettm $0x7FFFFFFF  }
tec
execute0_lowered:
.L_overlay_start_1:
0x0: {  	(tag) =	ssettag $0x1  }
0x1: {  	s0 =	rddreg [dreg:$0x0]  }
0x2: {  	s2 =	rddreg [dreg:$0x1];
	s1 =	srdreg.scid  }
0x3: {  	s12 =	stileid.u32;
	s3 =	rddreg [dreg:$0x2];
	s4 =	simm.s32 $0x0  }
0x4: {  	s13 =	simm.s32 $0x32A0;
	s1 =	sand.u32 $0x1, s1;
	s10 =	smul.u32 $0x5A000, s12  }
0x5: {  	s8 =	smul.u32 $0x16800, s12;
	[smem:$0x7FF] =	sst s4;
	s5 =	sadd.s32 $0x2400, s0  }
0x6: {  	s6 =	smul.u32 $0x168000, s1;
	_ =	strace $0x80000047;
	s10 =	sshrl.u32 s10, $0x2  }
0x7: {  	s15 =	ssub.s32 $0x2, s1;
	s1 =	sshll.u32 s1, $0x4;
	s10 =	sadd.s32 s10, s3  }
0x8: {  	s11 =	sshrl.u32 s15, $0x1;
	s1 =	sor.u32 s12, s1;
	s16 =	sadd.s32 $0x1200, s10  }
0x9: {  	s12 =	simm.s32 $0x2;
	s17 =	sadd.s32 $0x2400, s10;
	[dreg:$0x4] =	wrdreg s16  }
0xa: {  	s7 =	sadd.s32 s8, s6;
	s18 =	sadd.s32 $0x3600, s10;
	[dreg:$0x5] =	wrdreg s17  }
0xb: {  	s6 =	sadd.s32 $0x41E00, s0;
	s19 =	sadd.s32 $0x4800, s10;
	[dreg:$0x6] =	wrdreg s18  }
0xc: {  	s8 =	sadd.s32 s8, s3;
	s20 =	sadd.s32 $0x5A00, s10;
	[dreg:$0x7] =	wrdreg s19  }
0xd: {  	s29 =	smul.u32 $0x4E20, s1;
	s21 =	sadd.s32 $0x6C00, s10;
	[dreg:$0x8] =	wrdreg s20  }
0xe: {  	s1 =	simm.s32 $0x5FA0;
	s22 =	sadd.s32 $0x7E00, s10;
	[dreg:$0x9] =	wrdreg s21  }
0xf: {  	s9 =	sshrl.u32 s7, $0x3;
	s23 =	sadd.s32 $0x9000, s10;
	[dreg:$0xa] =	wrdreg s22  }
0x10: {  	s7 =	sadd.s32 $0x2E400, s0;
	s24 =	sadd.s32 $0xA200, s10;
	[dreg:$0xb] =	wrdreg s23  }
0x11: {  	s25 =	sadd.s32 $0xB400, s10;
	s26 =	sadd.s32 $0xC600, s10;
	[dreg:$0xc] =	wrdreg s24  }
0x12: {  	s28 =	sadd.s32 $0x15600, s10;
	s0 =	sadd.s32 s9, s0;
	[dreg:$0xd] =	wrdreg s25  }
0x13: {  	s9 =	ssub.s32 s15, s11;
	[dreg:$0xe] =	wrdreg s26;
	s20 =	sadd.s32 $0xD800, s10  }
0x14: {  	v1 =	vlaneseq.u32;
	v0 =	vimm.f32 $0.0e+00;
	vm0 =	vmmov $0xff;
	s21 =	sadd.s32 $0xEA00, s10;
	s22 =	sadd.s32 $0xFC00, s10;
	s23 =	sadd.s32 $0x10E00, s10  }
0x15: {  	v2 =	vimm.s32 $0x0;
	v3 =	vimm.s32 $0x1;
	v4 =	vimm.s32 $0x2;
	s24 =	sadd.s32 $0x12000, s10;
	s25 =	sadd.s32 $0x13200, s10;
	s26 =	sadd.s32 $0x14400, s10  }
0x16: {  	v5 =	vimm.s32 $0x3;
	v6 =	vimm.s32 $0x4;
	v7 =	vimm.s32 $0x5;
	s10 =	simm.s32 $0xA0;
	s11 =	simm.s32 $0x1;
	s30 =	sadd.s32 $0x55800, s0  }
0x17: {  	v8 =	vimm.s32 $0x6;
	v9 =	vimm.s32 $0x7;
	v1 =	vor.u32 $0x8, v1;
	s31 =	smax.u32 s9, $0x1;
	s0 =	simm.s32 $0x3;
	s9 =	simm.s32 $0x50  }
.LBB2_1:
0x18: {  	s14 =	simm.s32 $0x80;
	s15 =	simm.s32 $0x440  }
.LBB2_2:
0x19: {  	p0 =	sne.s32 s15, $0x47C0;
	[tilespmem:s14+$0x5FA0] =	vst v0  }
0x1a: {  	[tilespmem:s14+$0x5F20] =	vst v0  }
0x1b: {  	[tilespmem:s14+$0x5F30] =	vst v0  }
0x1c: {  	[tilespmem:s14+$0x5F40] =	vst v0  }
.Ltmp0:
0x1d: {  	[tilespmem:s14+$0x5F50] =	vst v0;
	(pc) =	sbr.rel @p0 .LBB2_2-.Ltmp0, $4  }
0x1e: {  	[tilespmem:s14+$0x5F60] =	vst v0  }
0x1f: {  	[tilespmem:s14+$0x5F70] =	vst v0  }
0x20: {  	[tilespmem:s14+$0x5F80] =	vst v0  }
0x21: {  	[tilespmem:s14+$0x5F90] =	vst v0;
	s14 =	sshra.s32 s15, $0x2;
	s15 =	sadd.s32 $0x240, s15  }
0x22: {  	[tilespmem:s14+$0x5FA0] =	vst v0  }
0x23: {  	[tilespmem:s14+$0x5F20] =	vst v0  }
0x24: {  	[tilespmem:s14+$0x5F30] =	vst v0  }
0x25: {  	[tilespmem:s14+$0x5F40] =	vst v0  }
0x26: {  	[tilespmem:s14+$0x5F50] =	vst v0  }
0x27: {  	[tilespmem:s14+$0x5F60] =	vst v0  }
0x28: {  	[tilespmem:s14+$0x5F70] =	vst v0  }
0x29: {  	[tilespmem:s14+$0x5F80] =	vst v0  }
0x2a: {  	[tilespmem:s14+$0x5F90] =	vst v0  }
0x2b: {  	[spmem:s8] =	stream.linear.scatter [tilespmem:s1], [sflag:$0x3], $0x1200, $0x38;
	[tilespmem:$0x1D9A0] =	vst v63  }
0x2c: {  	_ =	swait.ge [sflag:s0], $0x1200  }
0x2d: {  	[sflag:s0] =	ssyncset.done $0x0  }
0x2e: {  	s19 =	rddreg [dreg:$0x4];
	[sflag:s0] =	ssyncadd.s32 $0xFFFFEE00  }
0x2f: {  	[spmem:s19] =	stream.linear.scatter [tilespmem:s1], [sflag:$0x3], $0x1200, $0x38;
	[tilespmem:$0x1D9A0] =	vst v63  }
0x30: {  	_ =	swait.ge [sflag:s0], $0x1200  }
0x31: {  	[sflag:s0] =	ssyncset.done $0x0  }
0x32: {  	s15 =	rddreg [dreg:$0x5];
	[sflag:s0] =	ssyncadd.s32 $0xFFFFEE00  }
0x33: {  	[spmem:s15] =	stream.linear.scatter [tilespmem:s1], [sflag:$0x3], $0x1200, $0x38;
	[tilespmem:$0x1D9A0] =	vst v63  }
0x34: {  	_ =	swait.ge [sflag:s0], $0x1200  }
0x35: {  	[sflag:s0] =	ssyncset.done $0x0  }
0x36: {  	s16 =	rddreg [dreg:$0x6];
	[sflag:s0] =	ssyncadd.s32 $0xFFFFEE00  }
0x37: {  	[spmem:s16] =	stream.linear.scatter [tilespmem:s1], [sflag:$0x3], $0x1200, $0x38;
	[tilespmem:$0x1D9A0] =	vst v63  }
0x38: {  	_ =	swait.ge [sflag:s0], $0x1200  }
0x39: {  	[sflag:s0] =	ssyncset.done $0x0  }
0x3a: {  	s17 =	rddreg [dreg:$0x7];
	[sflag:s0] =	ssyncadd.s32 $0xFFFFEE00  }
0x3b: {  	[spmem:s17] =	stream.linear.scatter [tilespmem:s1], [sflag:$0x3], $0x1200, $0x38;
	[tilespmem:$0x1D9A0] =	vst v63  }
0x3c: {  	_ =	swait.ge [sflag:s0], $0x1200  }
0x3d: {  	[sflag:s0] =	ssyncset.done $0x0  }
0x3e: {  	s18 =	rddreg [dreg:$0x8];
	[sflag:s0] =	ssyncadd.s32 $0xFFFFEE00  }
0x3f: {  	[spmem:s18] =	stream.linear.scatter [tilespmem:s1], [sflag:$0x3], $0x1200, $0x38;
	[tilespmem:$0x1D9A0] =	vst v63  }
0x40: {  	_ =	swait.ge [sflag:s0], $0x1200  }
0x41: {  	[sflag:s0] =	ssyncset.done $0x0  }
0x42: {  	s19 =	rddreg [dreg:$0x9];
	[sflag:s0] =	ssyncadd.s32 $0xFFFFEE00  }
0x43: {  	[spmem:s19] =	stream.linear.scatter [tilespmem:s1], [sflag:$0x3], $0x1200, $0x38;
	[tilespmem:$0x1D9A0] =	vst v63  }
0x44: {  	_ =	swait.ge [sflag:s0], $0x1200  }
0x45: {  	[sflag:s0] =	ssyncset.done $0x0  }
0x46: {  	s15 =	rddreg [dreg:$0xa];
	[sflag:s0] =	ssyncadd.s32 $0xFFFFEE00  }
0x47: {  	[spmem:s15] =	stream.linear.scatter [tilespmem:s1], [sflag:$0x3], $0x1200, $0x38;
	[tilespmem:$0x1D9A0] =	vst v63  }
0x48: {  	_ =	swait.ge [sflag:s0], $0x1200  }
0x49: {  	[sflag:s0] =	ssyncset.done $0x0  }
0x4a: {  	s16 =	rddreg [dreg:$0xb];
	[sflag:s0] =	ssyncadd.s32 $0xFFFFEE00  }
0x4b: {  	[spmem:s16] =	stream.linear.scatter [tilespmem:s1], [sflag:$0x3], $0x1200, $0x38;
	[tilespmem:$0x1D9A0] =	vst v63  }
0x4c: {  	_ =	swait.ge [sflag:s0], $0x1200  }
0x4d: {  	[sflag:s0] =	ssyncset.done $0x0  }
0x4e: {  	s17 =	rddreg [dreg:$0xc];
	[sflag:s0] =	ssyncadd.s32 $0xFFFFEE00  }
0x4f: {  	[spmem:s17] =	stream.linear.scatter [tilespmem:s1], [sflag:$0x3], $0x1200, $0x38;
	[tilespmem:$0x1D9A0] =	vst v63  }
0x50: {  	_ =	swait.ge [sflag:s0], $0x1200  }
0x51: {  	[sflag:s0] =	ssyncset.done $0x0  }
0x52: {  	s18 =	rddreg [dreg:$0xd];
	[sflag:s0] =	ssyncadd.s32 $0xFFFFEE00  }
0x53: {  	[spmem:s18] =	stream.linear.scatter [tilespmem:s1], [sflag:$0x3], $0x1200, $0x38;
	[tilespmem:$0x1D9A0] =	vst v63  }
0x54: {  	_ =	swait.ge [sflag:s0], $0x1200  }
0x55: {  	[sflag:s0] =	ssyncset.done $0x0  }
0x56: {  	s19 =	rddreg [dreg:$0xe];
	[sflag:s0] =	ssyncadd.s32 $0xFFFFEE00  }
0x57: {  	[spmem:s19] =	stream.linear.scatter [tilespmem:s1], [sflag:$0x3], $0x1200, $0x38;
	[tilespmem:$0x1D9A0] =	vst v63  }
0x58: {  	_ =	swait.ge [sflag:s0], $0x1200  }
0x59: {  	[sflag:s0] =	ssyncset.done $0x0  }
0x5a: {  	[sflag:s0] =	ssyncadd.s32 $0xFFFFEE00  }
0x5b: {  	[spmem:s20] =	stream.linear.scatter [tilespmem:s1], [sflag:$0x3], $0x1200, $0x38;
	[tilespmem:$0x1D9A0] =	vst v63  }
0x5c: {  	_ =	swait.ge [sflag:s0], $0x1200  }
0x5d: {  	[sflag:s0] =	ssyncset.done $0x0  }
0x5e: {  	[sflag:s0] =	ssyncadd.s32 $0xFFFFEE00  }
0x5f: {  	[spmem:s21] =	stream.linear.scatter [tilespmem:s1], [sflag:$0x3], $0x1200, $0x38;
	[tilespmem:$0x1D9A0] =	vst v63  }
0x60: {  	_ =	swait.ge [sflag:s0], $0x1200  }
0x61: {  	[sflag:s0] =	ssyncset.done $0x0  }
0x62: {  	[sflag:s0] =	ssyncadd.s32 $0xFFFFEE00  }
0x63: {  	[spmem:s22] =	stream.linear.scatter [tilespmem:s1], [sflag:$0x3], $0x1200, $0x38;
	[tilespmem:$0x1D9A0] =	vst v63  }
0x64: {  	_ =	swait.ge [sflag:s0], $0x1200  }
0x65: {  	[sflag:s0] =	ssyncset.done $0x0  }
0x66: {  	[sflag:s0] =	ssyncadd.s32 $0xFFFFEE00  }
0x67: {  	[spmem:s23] =	stream.linear.scatter [tilespmem:s1], [sflag:$0x3], $0x1200, $0x38;
	[tilespmem:$0x1D9A0] =	vst v63  }
0x68: {  	_ =	swait.ge [sflag:s0], $0x1200  }
0x69: {  	[sflag:s0] =	ssyncset.done $0x0  }
0x6a: {  	[sflag:s0] =	ssyncadd.s32 $0xFFFFEE00  }
0x6b: {  	[spmem:s24] =	stream.linear.scatter [tilespmem:s1], [sflag:$0x3], $0x1200, $0x38;
	[tilespmem:$0x1D9A0] =	vst v63  }
0x6c: {  	_ =	swait.ge [sflag:s0], $0x1200  }
0x6d: {  	[sflag:s0] =	ssyncset.done $0x0  }
0x6e: {  	[sflag:s0] =	ssyncadd.s32 $0xFFFFEE00  }
0x6f: {  	[spmem:s25] =	stream.linear.scatter [tilespmem:s1], [sflag:$0x3], $0x1200, $0x38;
	[tilespmem:$0x1D9A0] =	vst v63  }
0x70: {  	_ =	swait.ge [sflag:s0], $0x1200  }
0x71: {  	[sflag:s0] =	ssyncset.done $0x0  }
0x72: {  	[sflag:s0] =	ssyncadd.s32 $0xFFFFEE00  }
0x73: {  	[spmem:s26] =	stream.linear.scatter [tilespmem:s1], [sflag:$0x3], $0x1200, $0x38;
	[tilespmem:$0x1D9A0] =	vst v63  }
0x74: {  	_ =	swait.ge [sflag:s0], $0x1200  }
0x75: {  	[sflag:s0] =	ssyncset.done $0x0  }
0x76: {  	[sflag:s0] =	ssyncadd.s32 $0xFFFFEE00  }
0x77: {  	[spmem:s28] =	stream.linear.scatter [tilespmem:s1], [sflag:$0x3], $0x1200, $0x38;
	[tilespmem:$0x1D9A0] =	vst v63  }
0x78: {  	_ =	swait.ge [sflag:s0], $0x1200  }
0x79: {  	[sflag:s0] =	ssyncset.done $0x0  }
0x7a: {  	[sflag:s0] =	ssyncadd.s32 $0xFFFFEE00  }
0x7b: {  	s14 =	simm.s32 $0x0;
	s15 =	simm.s32 $0x0;
	[bflag:$0x0] =	sbarrier.arrive $0xFFFF  }
.LBB2_4:
0x7c: {  	s16 =	smul.u32 $0x50, s15;
	_ =	sdelay $0x1  }
0x7d: {  	s16 =	sadd.s32 s29, s16  }
0x7e: {  	s16 =	sshrl.u32 s16, $0x3  }
0x7f: {  	s17 =	sadd.s32 s6, s16  }
0x80: {  	[tilespmem:s14], [sflag:$0x3] =	stream.linear.gather [hbm4b:s17+s14], $0x50, $0x38;
	[tilespmem:$0x1D9A0] =	vst v63  }
0x81: {  	_ =	swait.ge [sflag:s0], $0x50  }
0x82: {  	[sflag:s0] =	ssyncset.done $0x0  }
0x83: {  	s16 =	sadd.s32 s7, s16;
	[sflag:s0] =	ssyncadd.s32 $0xFFFFFFB0  }
0x84: {  	[tilespmem:s9], [sflag:$0x3] =	stream.linear.gather [hbm4b:s16+s14], $0x50, $0x38;
	[tilespmem:$0x1D9A0] =	vst v63  }
0x85: {  	_ =	swait.ge [sflag:s0], $0x50  }
0x86: {  	[sflag:s0] =	ssyncset.done $0x0  }
0x87: {  	[sflag:s0] =	ssyncadd.s32 $0xFFFFFFB0  }
0x88: {  	[tilespmem:s10], [sflag:$0x1] =	stream.indirect.gather [hbm4b:s5+s9], $0x90, s14, s9, $0xb8;
	[tilespmem:$0x1D9A0] =	vst v63  }
0x89: {  	s17 =	simm.s32 $0x2DA0  }
0x8a: {  	[tilespmem:s17], [sflag:$0x2] =	stream.indirect.gather [hbm4b:s2+s9], $0x10, s9, s9, $0xb8;
	[tilespmem:$0x1D9A0] =	vst v63  }
0x8b: {  	_ =	swait.ge [sflag:s11], $0x2D00  }
0x8c: {  	[sflag:s11] =	ssyncset.done $0x0  }
0x8d: {  	[sflag:s11] =	ssyncadd.s32 $0xFFFFD300  }
0x8e: {  	_ =	swait.ge [sflag:s12], $0x500  }
0x8f: {  	[sflag:s12] =	ssyncset.done $0x0  }
0x90: {  	s16 =	simm.s32 $0x0;
	[sflag:s12] =	ssyncadd.s32 $0xFFFFFB00  }
0x91: {  	s18 =	simm.s32 $0x240;
	v10 =	vld [tilespmem:s16+$0x120]  }
.LBB2_5:
0x92: {  	p0 =	sne.s32 s18, $0xB1C0;
	v11 =	vld [tilespmem:s17+$0x0];
	_ =	sdelay $0x4  }
0x93: {  	v10 =	vadd.f32 v11, v10;
	_ =	sdelay $0x1  }
0x94: {  	v12 =	vmul.f32 $2.000000030e-01, v10  }
0x95: {  	v11 =	vperm.xlane v11, v1  }
0x96: {  	v10 =	vmax.f32 v10, v12  }
0x97: {  	v10 =	vsub.f32 v10, v11;
	_ =	sdelay $0x1  }
0x98: {  	v10 =	vmul.f32 $1.442695020e+00, v10;
	_ =	sdelay $0x1  }
0x99: {  	(erf) = vpow2.f32 v10;
	_ =	sdelay $0x4  }
0x9a: {  	v10 =	vld [tilespmem:s16+$0xA0]  }
0x9b: {  	v11 =	vld [tilespmem:s16+$0xB0]  }
0x9c: {  	v12 =	vld [tilespmem:s16+$0xC0]  }
0x9d: {  	v13 =	vld [tilespmem:s16+$0xD0]  }
0x9e: {  	v14 =	vld [tilespmem:s16+$0xE0];
	v15 =	vpop (erf)  }
0x9f: {  	v16 =	vnsel vm0, $0x0, v15;
	v17 =	vperm.xlane v15, v2;
	v18 =	vperm.xlane v15, v3;
	v19 =	vld [tilespmem:s16+$0xF0]  }
0xa0: {  	v20 =	vperm.xlane v15, v5;
	[tilespmem:s16+$0x3320] =	vst v16;
	v16 =	vperm.xlane v15, v4;
	v21 =	vld [tilespmem:s16+$0x100]  }
0xa1: {  	v10 =	vmul.f32 v10, v17;
	v11 =	vmul.f32 v11, v18;
	v17 =	vld [tilespmem:s16+$0x110]  }
0xa2: {  	v12 =	vmul.f32 v12, v16;
	v13 =	vmul.f32 v13, v20  }
0xa3: {  	v16 =	vperm.xlane v15, v7;
	[tilespmem:s16+$0x32A0] =	vst v10;
	v10 =	vperm.xlane v15, v6  }
0xa4: {  	[tilespmem:s16+$0x32B0] =	vst v11;
	v11 =	vperm.xlane v15, v8;
	v15 =	vperm.xlane v15, v9  }
0xa5: {  	[tilespmem:s16+$0x32C0] =	vst v12;
	v10 =	vmul.f32 v14, v10;
	v12 =	vmul.f32 v19, v16  }
.Ltmp1:
0xa6: {  	[tilespmem:s16+$0x32D0] =	vst v13;
	v11 =	vmul.f32 v21, v11;
	v13 =	vmul.f32 v17, v15;
	(pc) =	sbr.rel @p0 .LBB2_5-.Ltmp1, $4  }
0xa7: {  	[tilespmem:s16+$0x32E0] =	vst v10  }
0xa8: {  	[tilespmem:s16+$0x32F0] =	vst v12  }
0xa9: {  	s19 =	sshra.s32 s18, $0x2;
	[tilespmem:s16+$0x3300] =	vst v11  }
0xaa: {  	s18 =	sadd.s32 $0x240, s18;
	s17 =	sadd.s32 $0x10, s17;
	v10 =	vld [tilespmem:s19+$0x120];
	[tilespmem:s16+$0x3310] =	vst v13;
	s16 =	smov.u32 s19  }
0xab: {  	v11 =	vld [tilespmem:s17+$0x0];
	_ =	sdelay $0x4  }
0xac: {  	v10 =	vadd.f32 v11, v10;
	_ =	sdelay $0x1  }
0xad: {  	v12 =	vmul.f32 $2.000000030e-01, v10  }
0xae: {  	v11 =	vperm.xlane v11, v1  }
0xaf: {  	v10 =	vmax.f32 v10, v12  }
0xb0: {  	v10 =	vsub.f32 v10, v11;
	_ =	sdelay $0x1  }
0xb1: {  	v10 =	vmul.f32 $1.442695020e+00, v10;
	_ =	sdelay $0x1  }
0xb2: {  	(erf) = vpow2.f32 v10;
	_ =	sdelay $0x6  }
0xb3: {  	v10 =	vld [tilespmem:s16+$0xA0]  }
0xb4: {  	v11 =	vld [tilespmem:s16+$0xB0]  }
0xb5: {  	v57 =	vld [tilespmem:s16+$0xC0];
	v15 =	vpop (erf)  }
0xb6: {  	v13 =	vld [tilespmem:s16+$0xD0];
	v17 =	vperm.xlane v15, v2  }
0xb7: {  	v18 =	vld [tilespmem:s16+$0xF0];
	v19 =	vperm.xlane v15, v3  }
0xb8: {  	v14 =	vld [tilespmem:s16+$0xE0];
	v16 =	vnsel vm0, $0x0, v15;
	v58 =	vperm.xlane v15, v4;
	v10 =	vmul.f32 v10, v17  }
0xb9: {  	v20 =	vld [tilespmem:s16+$0x100];
	v59 =	vperm.xlane v15, v5;
	[tilespmem:s16+$0x3320] =	vst v16;
	v11 =	vmul.f32 v11, v19  }
0xba: {  	v60 =	vld [tilespmem:s16+$0x110];
	v61 =	vperm.xlane v15, v7;
	v12 =	vmul.f32 v57, v58;
	[tilespmem:s16+$0x32A0] =	vst v10  }
0xbb: {  	v13 =	vmul.f32 v13, v59;
	v10 =	vperm.xlane v15, v6;
	[tilespmem:s16+$0x32B0] =	vst v11  }
0xbc: {  	v63 =	vmul.f32 v18, v61;
	v11 =	vperm.xlane v15, v8;
	[tilespmem:s16+$0x32C0] =	vst v12  }
0xbd: {  	v62 =	vperm.xlane v15, v9;
	[tilespmem:s16+$0x32D0] =	vst v13;
	v10 =	vmul.f32 v14, v10  }
0xbe: {  	[tilespmem:s16+$0x32F0] =	vst v63;
	v11 =	vmul.f32 v20, v11  }
0xbf: {  	s15 =	sadd.s32 $0x1, s15;
	[tilespmem:s16+$0x32E0] =	vst v10;
	v10 =	vmul.f32 v60, v62  }
0xc0: {  	p0 =	sne.s32 s15, $0xFA;
	[tilespmem:s16+$0x3300] =	vst v11  }
.Ltmp2:
0xc1: {  	[tilespmem:s16+$0x3310] =	vst v10;
	(pc) =	sbr.rel @p0 .LBB2_4-.Ltmp2, $4  }
0xc2: {  	[spmem:s3] =	stream.indirect.scatter.add.f32 [tilespmem:s13], [sflag:$0x3], $0x90, s9, s9, $0xb8;
	[tilespmem:$0x1D9A0] =	vst v63  }
0xc3: {  	_ =	swait.ge [sflag:s0], $0x2D00  }
0xc4: {  	[sflag:s0] =	ssyncset.done $0x0  }
0xc5: {  	[sflag:s0] =	ssyncadd.s32 $0xFFFFD300  }
0xc6: {  	s14 =	stileid.u32;
	s4 =	sadd.s32 $0x1, s4  }
0xc7: {  	[bflag:$0x0] =	sbarrier.arrive $0xFFFF;
	s14 =	sshll.u32 s14, $0x6;
	p0 =	sne.s32 s4, s31  }
.Ltmp3:
0xc8: {  	s15 =	sshrl.u32 s8, $0x3;
	s14 =	sor.u32 $0x1C03, s14;
	(pc) =	sbr.rel @p0 .LBB2_1-.Ltmp3, $4  }
0xc9: {  	[hbm:s30], [sflag:s14] =	dma.local [spmem:s15], $0x2D00  }
0xca: {  	_ =	swait.ge [sflag:s0], $0x2D00  }
0xcb: {  	[sflag:s0] =	ssyncset.done $0x0  }
0xcc: {  	[sflag:s0] =	ssyncadd.s32 $0xFFFFD300  }
0xcd: {  	_ =	sfence.sel $0x180000  }
0xce: {  	[bflag:$0x0] =	sbarrier.arrive $0xFFFF  }
0xcf: {  	_ =	strace $0x90000047  }
0xd0: {  	s0 =	stileid.u32;
	[bflag:$0x2] =	sbarrier.arrive $0xFFFF  }
0xd1: {  	p0 =	sne.s32 s0, $0x0;
	s0 =	rddreg [dreg:$0x3]  }
0xd2: {  	s0 =	sadd.s32 @!p0 $0x100000, s0  }
0xd3: {  	[sflag:s0] =	ssyncadd.tile.s32 @!p0 $0x1;
	_ =	shalt  }
.Lfunc_end2:
_tile_overlayer_lowered:
.L_overlay_start_2:
0xd4: {  	(tag) =	ssettag $0x2  }
0xd5: {  	s0 =	rddreg [dreg:$0x0];
	s2 =	stileid.u32  }
0xd6: {  	s1 =	rddreg [dreg:$0x1];
	p0 =	sne.s32 s2, $0x0  }
0xd7: {  	s3 =	rddreg [dreg:$0x2];
	[bflag:$0x3] =	sbarrier.arrive $0xFFFF;
	s2 =	simm.s32 @!p0 $0x1C03  }
0xd8: {  	[timem:s3], [sflag:s2] =	dma.local @!p0 [hbm:s0], s1  }
0xd9: {  	s0 =	simm.s32 @!p0 $0x3  }
0xda: {  	_ =	swait.ge @!p0 [sflag:s0], s1  }
0xdb: {  	s1 =	ssub.s32 @!p0 $0x0, s1;
	[sflag:s0] =	ssyncset.done @!p0 $0x0  }
0xdc: {  	[sflag:s0] =	ssyncadd.s32 @!p0 s1  }
0xdd: {  	[bflag:$0x3] =	sbarrier.arrive $0xFFFF  }
0xde: {  	_ =	shalt  }

</sc_bundles>
